<compile_context>
chip_gen: v7x
topology: tpu7x:2x2x1
jax: 0.10.2.dev20260603
libtpu: 0.0.44.dev20260713+nightly
codegen_flags: <defaults>
</compile_context>

<pallas_src>
import jax
import jax.numpy as jnp
from jax import lax
from jax.experimental import pallas as pl
from jax.experimental.pallas import tpu as pltpu
from jax.experimental.pallas import tpu_sc as plsc

NC, NS, LANES = 2, 16, 16
NW = NC * NS
B, L, EMB = 4096, 200, 64
RPW = B // NW
SPLIT = 128
REST = L - SPLIT
NB = 2
NITER = RPW // NB
RU = 8
PADW = 128
SCALE = 8.0

_mesh = plsc.VectorSubcoreMesh(core_axis_name="c", subcore_axis_name="s")


def _emb_body(tok_hbm, table_hbm, out_hbm, idx_v, halved, *scratch):
    rows = scratch[:NB]
    obuf = scratch[NB:2 * NB]
    gsems = scratch[2 * NB:3 * NB]
    wsems = scratch[3 * NB:4 * NB]
    wid = lax.axis_index("s") * NC + lax.axis_index("c")
    rbase = wid * RPW
    pltpu.sync_copy(tok_hbm.at[pl.ds(rbase, RPW)], idx_v)

    @plsc.parallel_loop(0, RPW, 1, unroll=4)
    def _halve(rr):
        for k in range(L // LANES):
            sl = pl.ds(k * LANES, LANES)
            halved[rr, sl] = lax.div(idx_v[rr, sl], 2)
        sl = pl.ds(L - LANES, LANES)
        halved[rr, sl] = lax.div(idx_v[rr, sl], 2)

    def fire(r, b):
        pltpu.async_copy(
            table_hbm.at[halved.at[r, pl.ds(0, SPLIT)]],
            rows[b].at[pl.ds(0, SPLIT)], gsems[b])
        pltpu.async_copy(
            table_hbm.at[halved.at[r, pl.ds(SPLIT, REST)]],
            rows[b].at[pl.ds(SPLIT, REST)], gsems[b])

    def wait_gather(b):
        pltpu.make_async_copy(
            table_hbm.at[halved.at[0, pl.ds(0, SPLIT)]],
            rows[b].at[pl.ds(0, SPLIT)], gsems[b]).wait()
        pltpu.make_async_copy(
            table_hbm.at[halved.at[0, pl.ds(SPLIT, REST)]],
            rows[b].at[pl.ds(SPLIT, REST)], gsems[b]).wait()

    def wait_write(b):
        pltpu.make_async_copy(obuf[b], out_hbm.at[rbase], wsems[b]).wait()

    for b in range(NB):
        fire(b, b)

    iotas = [lax.iota(jnp.int32, LANES) + j * LANES
             for j in range(EMB // LANES)]

    def select_scale(r, b):
        def _sel(p, carry):
            rb = jnp.full((LANES,), r, jnp.int32)
            pb = jnp.full((LANES,), p, jnp.int32)
            tok = plsc.load_gather(idx_v, [rb, pb])
            par64 = lax.rem(tok, 2) * EMB
            for j in range(EMB // LANES):
                v = plsc.load_gather(rows[b], [pb, par64 + iotas[j]])
                obuf[b][p, pl.ds(j * LANES, LANES)] = v * SCALE
            return carry

        lax.fori_loop(0, L, _sel, 0)

    def outer(it, carry):
        r0 = it * NB
        for b in range(NB):
            r = r0 + b
            wait_gather(b)
            select_scale(r, b)
            pltpu.async_copy(obuf[b], out_hbm.at[rbase + r], wsems[b])

            @pl.when(r + NB < RPW)
            def _refire():
                wait_write(b)
                fire(r + NB, b)

        return carry

    lax.fori_loop(0, NITER, outer, 0)

    for b in range(NB):
        wait_write(b)


def kernel(tokens, embedding):
    return pl.kernel(
        _emb_body,
        mesh=_mesh,
        compiler_params=pltpu.CompilerParams(use_tc_tiling_on_sc=False, needs_layout_passes=False),
        out_type=jax.ShapeDtypeStruct((B, L, EMB), jnp.float32),
        scratch_types=(
            [pltpu.VMEM((RPW, L), jnp.int32),
             pltpu.VMEM((RPW, L), jnp.int32)]
            + [pltpu.VMEM((L, PADW), jnp.float32) for _ in range(NB)]
            + [pltpu.VMEM((L, EMB), jnp.float32) for _ in range(NB)]
            + [pltpu.SemaphoreType.DMA for _ in range(2 * NB)]
        ),
    )(tokens, embedding.reshape(-1, PADW))

# --- scband reference (transcript-rebuilt; emitter-appended) ---
"""Pipeline reference for scband-token-embedding-8796093022383 (READ-ONLY COPY).

The authoritative reference and input builder live on the scoring server;
editing this copy changes nothing except your own understanding.
"""

import jax, jax.numpy as jnp
import numpy as np
import math

VOCAB = 1000000
EMB = 64
B = 4096
L = 200

def setup_inputs(seed: int = 0) -> dict:
    key = jax.random.key(seed)
    k_tok, k_emb = jax.random.split(key)
    tokens = jax.random.randint(k_tok, (B, L), 0, VOCAB, dtype=jnp.int64 if jax.config.jax_enable_x64 else jnp.int32)
    embedding = jax.random.normal(k_emb, (VOCAB, EMB), dtype=jnp.float32)
    return {"tokens": tokens, "embedding": embedding}

def reference(tokens, embedding):
    # TokenEmbedding.forward: embedding(tokens.long()) * sqrt(emb_size)
    out = jnp.take(embedding, tokens, axis=0)
    return out * math.sqrt(EMB)

if __name__ == "__main__":
    import jax
    _d = setup_inputs()
    print(jax.jit(kernel)(*tuple(_d.values())))

</pallas_src>

<mosaic_0001>
#map = affine_map<(d0, d1) -> (0, 0)>
#map1 = affine_map<(d0, d1) -> (0, 0, 0)>
module attributes {stable_mosaic.version = 14 : i64} {
  func.func @_emb_body(%arg0: i32, %arg1: i32, %arg2: memref<4096x200xi32, #tpu.memory_space<hbm>>, %arg3: memref<500000x128xf32, #tpu.memory_space<hbm>>, %arg4: memref<4096x200x64xf32, #tpu.memory_space<hbm>>, %arg5: memref<128x200xi32, #tpu.memory_space<vmem>>, %arg6: memref<128x200xi32, #tpu.memory_space<vmem>>, %arg7: memref<200x128xf32, #tpu.memory_space<vmem>>, %arg8: memref<200x128xf32, #tpu.memory_space<vmem>>, %arg9: memref<200x64xf32, #tpu.memory_space<vmem>>, %arg10: memref<200x64xf32, #tpu.memory_space<vmem>>, %arg11: memref<!tpu.dma_semaphore, #tpu.memory_space<semaphore_mem>>, %arg12: memref<!tpu.dma_semaphore, #tpu.memory_space<semaphore_mem>>, %arg13: memref<!tpu.dma_semaphore, #tpu.memory_space<semaphore_mem>>, %arg14: memref<!tpu.dma_semaphore, #tpu.memory_space<semaphore_mem>>) attributes {dimension_semantics = [#tpu.dimension_semantics<core_parallel>, #tpu.dimension_semantics<subcore_parallel>], iteration_bounds = array<i64: 2, 16>, scalar_prefetch = 0 : i64, scratch_operands = 10 : i64, tpu.core_type = #tpu.core_type<sc_vector_subcore>, window_params = [{transform_indices = #map}, {transform_indices = #map}, {transform_indices = #map1}]} {
    %mul3A = arith.constant 2 : i32
    %mul3A_0 = arith.muli %arg1, %mul3A : i32
    %add3A = arith.addi %mul3A_0, %arg0 : i32
    %mul3A_1 = arith.constant 128 : i32
    %mul3A_2 = arith.muli %add3A, %mul3A_1 : i32
    "tpu.region"() ({
      %run_scoped3A = tpu.sem_alloc : memref<!tpu.dma_semaphore, #tpu.memory_space<semaphore_mem>>
      %dma_start3A_79 = arith.constant 0 : i32
      %dma_start3A_80 = tpu.memref_slice %arg2[%mul3A_2, %dma_start3A_79] : memref<4096x200xi32, #tpu.memory_space<hbm>> -> memref<128x200xi32, #tpu.memory_space<hbm>>
      %dma_start3A_81 = arith.constant 0 : i32
      %dma_start3A_82 = tpu.memref_slice %arg2[%mul3A_2, %dma_start3A_81] : memref<4096x200xi32, #tpu.memory_space<hbm>> -> memref<128x200xi32, #tpu.memory_space<hbm>>
      tpu.enqueue_dma source(%dma_start3A_82 : memref<128x200xi32, #tpu.memory_space<hbm>>) target(%arg5 : memref<128x200xi32, #tpu.memory_space<vmem>>) target_semaphore(%run_scoped3A : memref<!tpu.dma_semaphore, #tpu.memory_space<semaphore_mem>>)
      %dma_wait3A_83 = arith.constant 0 : i32
      %dma_wait3A_84 = tpu.memref_slice %arg2[%mul3A_2, %dma_wait3A_83] : memref<4096x200xi32, #tpu.memory_space<hbm>> -> memref<128x200xi32, #tpu.memory_space<hbm>>
      %dma_wait3A_85 = arith.constant 0 : i32
      %dma_wait3A_86 = tpu.memref_slice %arg2[%mul3A_2, %dma_wait3A_85] : memref<4096x200xi32, #tpu.memory_space<hbm>> -> memref<128x200xi32, #tpu.memory_space<hbm>>
      tpu.wait_dma2 semaphore(%run_scoped3A : memref<!tpu.dma_semaphore, #tpu.memory_space<semaphore_mem>>) src(%dma_wait3A_86 : memref<128x200xi32, #tpu.memory_space<hbm>>) dst(%arg5 : memref<128x200xi32, #tpu.memory_space<vmem>>)
      tpu.yield
    }) : () -> ()
    %parallel_loop3A = arith.constant 0 : i32
    %parallel_loop3A_3 = arith.constant 128 : i32
    %parallel_loop3A_4 = arith.constant 1 : i32
    scf.for %parallel_loop3A_79 = %parallel_loop3A to %parallel_loop3A_3 step %parallel_loop3A_4  : i32 {
      %parallel_loop3A_80 = arith.index_cast %parallel_loop3A_79 : i32 to index
      %parallel_loop3A_81 = arith.constant 0 : index
      %parallel_loop3A_82 = tpu.vector_load %arg5[%parallel_loop3A_80, %parallel_loop3A_81] {strides = array<i32>} : memref<128x200xi32, #tpu.memory_space<vmem>>, vector<16xi32>,
      %parallel_loop3A_83 = arith.constant 2 : i32
      %parallel_loop3A_84 = vector.broadcast %parallel_loop3A_83 : i32 to vector<16xi32>
      %parallel_loop3A_85 = arith.divsi %parallel_loop3A_82, %parallel_loop3A_84 : vector<16xi32>
      %parallel_loop3A_86 = arith.index_cast %parallel_loop3A_79 : i32 to index
      %parallel_loop3A_87 = arith.constant 0 : index
      %parallel_loop3A_88 = tpu.vector_load %arg6[%parallel_loop3A_86, %parallel_loop3A_87] {strides = array<i32>} : memref<128x200xi32, #tpu.memory_space<vmem>>, vector<16xi32>,
      tpu.vector_store %arg6[%parallel_loop3A_86, %parallel_loop3A_87], %parallel_loop3A_85 {strides = array<i32>} : memref<128x200xi32, #tpu.memory_space<vmem>>, vector<16xi32>,
      %parallel_loop3A_89 = arith.index_cast %parallel_loop3A_79 : i32 to index
      %parallel_loop3A_90 = arith.constant 16 : index
      %parallel_loop3A_91 = tpu.vector_load %arg5[%parallel_loop3A_89, %parallel_loop3A_90] {strides = array<i32>} : memref<128x200xi32, #tpu.memory_space<vmem>>, vector<16xi32>,
      %parallel_loop3A_92 = arith.constant 2 : i32
      %parallel_loop3A_93 = vector.broadcast %parallel_loop3A_92 : i32 to vector<16xi32>
      %parallel_loop3A_94 = arith.divsi %parallel_loop3A_91, %parallel_loop3A_93 : vector<16xi32>
      %parallel_loop3A_95 = arith.index_cast %parallel_loop3A_79 : i32 to index
      %parallel_loop3A_96 = arith.constant 16 : index
      %parallel_loop3A_97 = tpu.vector_load %arg6[%parallel_loop3A_95, %parallel_loop3A_96] {strides = array<i32>} : memref<128x200xi32, #tpu.memory_space<vmem>>, vector<16xi32>,
      tpu.vector_store %arg6[%parallel_loop3A_95, %parallel_loop3A_96], %parallel_loop3A_94 {strides = array<i32>} : memref<128x200xi32, #tpu.memory_space<vmem>>, vector<16xi32>,
      %parallel_loop3A_98 = arith.index_cast %parallel_loop3A_79 : i32 to index
      %parallel_loop3A_99 = arith.constant 32 : index
      %parallel_loop3A_100 = tpu.vector_load %arg5[%parallel_loop3A_98, %parallel_loop3A_99] {strides = array<i32>} : memref<128x200xi32, #tpu.memory_space<vmem>>, vector<16xi32>,
      %parallel_loop3A_101 = arith.constant 2 : i32
      %parallel_loop3A_102 = vector.broadcast %parallel_loop3A_101 : i32 to vector<16xi32>
      %parallel_loop3A_103 = arith.divsi %parallel_loop3A_100, %parallel_loop3A_102 : vector<16xi32>
      %parallel_loop3A_104 = arith.index_cast %parallel_loop3A_79 : i32 to index
      %parallel_loop3A_105 = arith.constant 32 : index
      %parallel_loop3A_106 = tpu.vector_load %arg6[%parallel_loop3A_104, %parallel_loop3A_105] {strides = array<i32>} : memref<128x200xi32, #tpu.memory_space<vmem>>, vector<16xi32>,
      tpu.vector_store %arg6[%parallel_loop3A_104, %parallel_loop3A_105], %parallel_loop3A_103 {strides = array<i32>} : memref<128x200xi32, #tpu.memory_space<vmem>>, vector<16xi32>,
      %parallel_loop3A_107 = arith.index_cast %parallel_loop3A_79 : i32 to index
      %parallel_loop3A_108 = arith.constant 48 : index
      %parallel_loop3A_109 = tpu.vector_load %arg5[%parallel_loop3A_107, %parallel_loop3A_108] {strides = array<i32>} : memref<128x200xi32, #tpu.memory_space<vmem>>, vector<16xi32>,
      %parallel_loop3A_110 = arith.constant 2 : i32
      %parallel_loop3A_111 = vector.broadcast %parallel_loop3A_110 : i32 to vector<16xi32>
      %parallel_loop3A_112 = arith.divsi %parallel_loop3A_109, %parallel_loop3A_111 : vector<16xi32>
      %parallel_loop3A_113 = arith.index_cast %parallel_loop3A_79 : i32 to index
      %parallel_loop3A_114 = arith.constant 48 : index
      %parallel_loop3A_115 = tpu.vector_load %arg6[%parallel_loop3A_113, %parallel_loop3A_114] {strides = array<i32>} : memref<128x200xi32, #tpu.memory_space<vmem>>, vector<16xi32>,
      tpu.vector_store %arg6[%parallel_loop3A_113, %parallel_loop3A_114], %parallel_loop3A_112 {strides = array<i32>} : memref<128x200xi32, #tpu.memory_space<vmem>>, vector<16xi32>,
      %parallel_loop3A_116 = arith.index_cast %parallel_loop3A_79 : i32 to index
      %parallel_loop3A_117 = arith.constant 64 : index
      %parallel_loop3A_118 = tpu.vector_load %arg5[%parallel_loop3A_116, %parallel_loop3A_117] {strides = array<i32>} : memref<128x200xi32, #tpu.memory_space<vmem>>, vector<16xi32>,
      %parallel_loop3A_119 = arith.constant 2 : i32
      %parallel_loop3A_120 = vector.broadcast %parallel_loop3A_119 : i32 to vector<16xi32>
      %parallel_loop3A_121 = arith.divsi %parallel_loop3A_118, %parallel_loop3A_120 : vector<16xi32>
      %parallel_loop3A_122 = arith.index_cast %parallel_loop3A_79 : i32 to index
      %parallel_loop3A_123 = arith.constant 64 : index
      %parallel_loop3A_124 = tpu.vector_load %arg6[%parallel_loop3A_122, %parallel_loop3A_123] {strides = array<i32>} : memref<128x200xi32, #tpu.memory_space<vmem>>, vector<16xi32>,
      tpu.vector_store %arg6[%parallel_loop3A_122, %parallel_loop3A_123], %parallel_loop3A_121 {strides = array<i32>} : memref<128x200xi32, #tpu.memory_space<vmem>>, vector<16xi32>,
      %parallel_loop3A_125 = arith.index_cast %parallel_loop3A_79 : i32 to index
      %parallel_loop3A_126 = arith.constant 80 : index
      %parallel_loop3A_127 = tpu.vector_load %arg5[%parallel_loop3A_125, %parallel_loop3A_126] {strides = array<i32>} : memref<128x200xi32, #tpu.memory_space<vmem>>, vector<16xi32>,
      %parallel_loop3A_128 = arith.constant 2 : i32
      %parallel_loop3A_129 = vector.broadcast %parallel_loop3A_128 : i32 to vector<16xi32>
      %parallel_loop3A_130 = arith.divsi %parallel_loop3A_127, %parallel_loop3A_129 : vector<16xi32>
      %parallel_loop3A_131 = arith.index_cast %parallel_loop3A_79 : i32 to index
      %parallel_loop3A_132 = arith.constant 80 : index
      %parallel_loop3A_133 = tpu.vector_load %arg6[%parallel_loop3A_131, %parallel_loop3A_132] {strides = array<i32>} : memref<128x200xi32, #tpu.memory_space<vmem>>, vector<16xi32>,
      tpu.vector_store %arg6[%parallel_loop3A_131, %parallel_loop3A_132], %parallel_loop3A_130 {strides = array<i32>} : memref<128x200xi32, #tpu.memory_space<vmem>>, vector<16xi32>,
      %parallel_loop3A_134 = arith.index_cast %parallel_loop3A_79 : i32 to index
      %parallel_loop3A_135 = arith.constant 96 : index
      %parallel_loop3A_136 = tpu.vector_load %arg5[%parallel_loop3A_134, %parallel_loop3A_135] {strides = array<i32>} : memref<128x200xi32, #tpu.memory_space<vmem>>, vector<16xi32>,
      %parallel_loop3A_137 = arith.constant 2 : i32
      %parallel_loop3A_138 = vector.broadcast %parallel_loop3A_137 : i32 to vector<16xi32>
      %parallel_loop3A_139 = arith.divsi %parallel_loop3A_136, %parallel_loop3A_138 : vector<16xi32>
      %parallel_loop3A_140 = arith.index_cast %parallel_loop3A_79 : i32 to index
      %parallel_loop3A_141 = arith.constant 96 : index
      %parallel_loop3A_142 = tpu.vector_load %arg6[%parallel_loop3A_140, %parallel_loop3A_141] {strides = array<i32>} : memref<128x200xi32, #tpu.memory_space<vmem>>, vector<16xi32>,
      tpu.vector_store %arg6[%parallel_loop3A_140, %parallel_loop3A_141], %parallel_loop3A_139 {strides = array<i32>} : memref<128x200xi32, #tpu.memory_space<vmem>>, vector<16xi32>,
      %parallel_loop3A_143 = arith.index_cast %parallel_loop3A_79 : i32 to index
      %parallel_loop3A_144 = arith.constant 112 : index
      %parallel_loop3A_145 = tpu.vector_load %arg5[%parallel_loop3A_143, %parallel_loop3A_144] {strides = array<i32>} : memref<128x200xi32, #tpu.memory_space<vmem>>, vector<16xi32>,
      %parallel_loop3A_146 = arith.constant 2 : i32
      %parallel_loop3A_147 = vector.broadcast %parallel_loop3A_146 : i32 to vector<16xi32>
      %parallel_loop3A_148 = arith.divsi %parallel_loop3A_145, %parallel_loop3A_147 : vector<16xi32>
      %parallel_loop3A_149 = arith.index_cast %parallel_loop3A_79 : i32 to index
      %parallel_loop3A_150 = arith.constant 112 : index
      %parallel_loop3A_151 = tpu.vector_load %arg6[%parallel_loop3A_149, %parallel_loop3A_150] {strides = array<i32>} : memref<128x200xi32, #tpu.memory_space<vmem>>, vector<16xi32>,
      tpu.vector_store %arg6[%parallel_loop3A_149, %parallel_loop3A_150], %parallel_loop3A_148 {strides = array<i32>} : memref<128x200xi32, #tpu.memory_space<vmem>>, vector<16xi32>,
      %parallel_loop3A_152 = arith.index_cast %parallel_loop3A_79 : i32 to index
      %parallel_loop3A_153 = arith.constant 128 : index
      %parallel_loop3A_154 = tpu.vector_load %arg5[%parallel_loop3A_152, %parallel_loop3A_153] {strides = array<i32>} : memref<128x200xi32, #tpu.memory_space<vmem>>, vector<16xi32>,
      %parallel_loop3A_155 = arith.constant 2 : i32
      %parallel_loop3A_156 = vector.broadcast %parallel_loop3A_155 : i32 to vector<16xi32>
      %parallel_loop3A_157 = arith.divsi %parallel_loop3A_154, %parallel_loop3A_156 : vector<16xi32>
      %parallel_loop3A_158 = arith.index_cast %parallel_loop3A_79 : i32 to index
      %parallel_loop3A_159 = arith.constant 128 : index
      %parallel_loop3A_160 = tpu.vector_load %arg6[%parallel_loop3A_158, %parallel_loop3A_159] {strides = array<i32>} : memref<128x200xi32, #tpu.memory_space<vmem>>, vector<16xi32>,
      tpu.vector_store %arg6[%parallel_loop3A_158, %parallel_loop3A_159], %parallel_loop3A_157 {strides = array<i32>} : memref<128x200xi32, #tpu.memory_space<vmem>>, vector<16xi32>,
      %parallel_loop3A_161 = arith.index_cast %parallel_loop3A_79 : i32 to index
      %parallel_loop3A_162 = arith.constant 144 : index
      %parallel_loop3A_163 = tpu.vector_load %arg5[%parallel_loop3A_161, %parallel_loop3A_162] {strides = array<i32>} : memref<128x200xi32, #tpu.memory_space<vmem>>, vector<16xi32>,
      %parallel_loop3A_164 = arith.constant 2 : i32
      %parallel_loop3A_165 = vector.broadcast %parallel_loop3A_164 : i32 to vector<16xi32>
      %parallel_loop3A_166 = arith.divsi %parallel_loop3A_163, %parallel_loop3A_165 : vector<16xi32>
      %parallel_loop3A_167 = arith.index_cast %parallel_loop3A_79 : i32 to index
      %parallel_loop3A_168 = arith.constant 144 : index
      %parallel_loop3A_169 = tpu.vector_load %arg6[%parallel_loop3A_167, %parallel_loop3A_168] {strides = array<i32>} : memref<128x200xi32, #tpu.memory_space<vmem>>, vector<16xi32>,
      tpu.vector_store %arg6[%parallel_loop3A_167, %parallel_loop3A_168], %parallel_loop3A_166 {strides = array<i32>} : memref<128x200xi32, #tpu.memory_space<vmem>>, vector<16xi32>,
      %parallel_loop3A_170 = arith.index_cast %parallel_loop3A_79 : i32 to index
      %parallel_loop3A_171 = arith.constant 160 : index
      %parallel_loop3A_172 = tpu.vector_load %arg5[%parallel_loop3A_170, %parallel_loop3A_171] {strides = array<i32>} : memref<128x200xi32, #tpu.memory_space<vmem>>, vector<16xi32>,
      %parallel_loop3A_173 = arith.constant 2 : i32
      %parallel_loop3A_174 = vector.broadcast %parallel_loop3A_173 : i32 to vector<16xi32>
      %parallel_loop3A_175 = arith.divsi %parallel_loop3A_172, %parallel_loop3A_174 : vector<16xi32>
      %parallel_loop3A_176 = arith.index_cast %parallel_loop3A_79 : i32 to index
      %parallel_loop3A_177 = arith.constant 160 : index
      %parallel_loop3A_178 = tpu.vector_load %arg6[%parallel_loop3A_176, %parallel_loop3A_177] {strides = array<i32>} : memref<128x200xi32, #tpu.memory_space<vmem>>, vector<16xi32>,
      tpu.vector_store %arg6[%parallel_loop3A_176, %parallel_loop3A_177], %parallel_loop3A_175 {strides = array<i32>} : memref<128x200xi32, #tpu.memory_space<vmem>>, vector<16xi32>,
      %parallel_loop3A_179 = arith.index_cast %parallel_loop3A_79 : i32 to index
      %parallel_loop3A_180 = arith.constant 176 : index
      %parallel_loop3A_181 = tpu.vector_load %arg5[%parallel_loop3A_179, %parallel_loop3A_180] {strides = array<i32>} : memref<128x200xi32, #tpu.memory_space<vmem>>, vector<16xi32>,
      %parallel_loop3A_182 = arith.constant 2 : i32
      %parallel_loop3A_183 = vector.broadcast %parallel_loop3A_182 : i32 to vector<16xi32>
      %parallel_loop3A_184 = arith.divsi %parallel_loop3A_181, %parallel_loop3A_183 : vector<16xi32>
      %parallel_loop3A_185 = arith.index_cast %parallel_loop3A_79 : i32 to index
      %parallel_loop3A_186 = arith.constant 176 : index
      %parallel_loop3A_187 = tpu.vector_load %arg6[%parallel_loop3A_185, %parallel_loop3A_186] {strides = array<i32>} : memref<128x200xi32, #tpu.memory_space<vmem>>, vector<16xi32>,
      tpu.vector_store %arg6[%parallel_loop3A_185, %parallel_loop3A_186], %parallel_loop3A_184 {strides = array<i32>} : memref<128x200xi32, #tpu.memory_space<vmem>>, vector<16xi32>,
      %parallel_loop3A_188 = arith.index_cast %parallel_loop3A_79 : i32 to index
      %parallel_loop3A_189 = arith.constant 184 : index
      %parallel_loop3A_190 = tpu.vector_load %arg5[%parallel_loop3A_188, %parallel_loop3A_189] {strides = array<i32>} : memref<128x200xi32, #tpu.memory_space<vmem>>, vector<16xi32>,
      %parallel_loop3A_191 = arith.constant 2 : i32
      %parallel_loop3A_192 = vector.broadcast %parallel_loop3A_191 : i32 to vector<16xi32>
      %parallel_loop3A_193 = arith.divsi %parallel_loop3A_190, %parallel_loop3A_192 : vector<16xi32>
      %parallel_loop3A_194 = arith.index_cast %parallel_loop3A_79 : i32 to index
      %parallel_loop3A_195 = arith.constant 184 : index
      %parallel_loop3A_196 = tpu.vector_load %arg6[%parallel_loop3A_194, %parallel_loop3A_195] {strides = array<i32>} : memref<128x200xi32, #tpu.memory_space<vmem>>, vector<16xi32>,
      tpu.vector_store %arg6[%parallel_loop3A_194, %parallel_loop3A_195], %parallel_loop3A_193 {strides = array<i32>} : memref<128x200xi32, #tpu.memory_space<vmem>>, vector<16xi32>,
    } {sc.loop_unroll_factor = 4 : i64, sc.parallel_access}
    %dma_start3A = arith.constant 0 : i32
    %dma_start3A_5 = arith.constant 0 : i32
    %dma_start3A_6 = arith.constant 0 : i32
    %dma_start3A_7 = tpu.memref_slice %arg7[%dma_start3A_5, %dma_start3A_6] : memref<200x128xf32, #tpu.memory_space<vmem>> -> memref<128x128xf32, #tpu.memory_space<vmem>>
    %dma_start3A_8 = arith.constant 0 : i32
    %dma_start3A_9 = tpu.memref_slice %arg6[%dma_start3A, %dma_start3A_8] : memref<128x200xi32, #tpu.memory_space<vmem>> -> memref<1x128xi32, #tpu.memory_space<vmem>>
    %dma_start3A_10 = tpu.memref_squeeze %dma_start3A_9 : memref<1x128xi32, #tpu.memory_space<vmem>> -> memref<128xi32, #tpu.memory_space<vmem>>
    %dma_start3A_11 = arith.constant 0 : i32
    %dma_start3A_12 = arith.constant 0 : i32
    %dma_start3A_13 = tpu.memref_slice %arg3[%dma_start3A_11, %dma_start3A_12] : memref<500000x128xf32, #tpu.memory_space<hbm>> -> memref<500000x128xf32, #tpu.memory_space<hbm>>
    tpu.enqueue_indirect_dma source(%dma_start3A_13 : memref<500000x128xf32, #tpu.memory_space<hbm>>) target(%dma_start3A_7 : memref<128x128xf32, #tpu.memory_space<vmem>>) offsets(%dma_start3A_10 : memref<128xi32, #tpu.memory_space<vmem>>) semaphore(%arg11 : memref<!tpu.dma_semaphore, #tpu.memory_space<semaphore_mem>>)
    %dma_start3A_14 = arith.constant 0 : i32
    %dma_start3A_15 = arith.constant 128 : i32
    %dma_start3A_16 = arith.constant 0 : i32
    %dma_start3A_17 = tpu.memref_slice %arg7[%dma_start3A_15, %dma_start3A_16] : memref<200x128xf32, #tpu.memory_space<vmem>> -> memref<72x128xf32, #tpu.memory_space<vmem>>
    %dma_start3A_18 = arith.constant 128 : i32
    %dma_start3A_19 = tpu.memref_slice %arg6[%dma_start3A_14, %dma_start3A_18] : memref<128x200xi32, #tpu.memory_space<vmem>> -> memref<1x72xi32, #tpu.memory_space<vmem>>
    %dma_start3A_20 = tpu.memref_squeeze %dma_start3A_19 : memref<1x72xi32, #tpu.memory_space<vmem>> -> memref<72xi32, #tpu.memory_space<vmem>>
    %dma_start3A_21 = arith.constant 0 : i32
    %dma_start3A_22 = arith.constant 0 : i32
    %dma_start3A_23 = tpu.memref_slice %arg3[%dma_start3A_21, %dma_start3A_22] : memref<500000x128xf32, #tpu.memory_space<hbm>> -> memref<500000x128xf32, #tpu.memory_space<hbm>>
    tpu.enqueue_indirect_dma source(%dma_start3A_23 : memref<500000x128xf32, #tpu.memory_space<hbm>>) target(%dma_start3A_17 : memref<72x128xf32, #tpu.memory_space<vmem>>) offsets(%dma_start3A_20 : memref<72xi32, #tpu.memory_space<vmem>>) semaphore(%arg11 : memref<!tpu.dma_semaphore, #tpu.memory_space<semaphore_mem>>)
    %dma_start3A_24 = arith.constant 1 : i32
    %dma_start3A_25 = arith.constant 0 : i32
    %dma_start3A_26 = arith.constant 0 : i32
    %dma_start3A_27 = tpu.memref_slice %arg8[%dma_start3A_25, %dma_start3A_26] : memref<200x128xf32, #tpu.memory_space<vmem>> -> memref<128x128xf32, #tpu.memory_space<vmem>>
    %dma_start3A_28 = arith.constant 0 : i32
    %dma_start3A_29 = tpu.memref_slice %arg6[%dma_start3A_24, %dma_start3A_28] : memref<128x200xi32, #tpu.memory_space<vmem>> -> memref<1x128xi32, #tpu.memory_space<vmem>>
    %dma_start3A_30 = tpu.memref_squeeze %dma_start3A_29 : memref<1x128xi32, #tpu.memory_space<vmem>> -> memref<128xi32, #tpu.memory_space<vmem>>
    %dma_start3A_31 = arith.constant 0 : i32
    %dma_start3A_32 = arith.constant 0 : i32
    %dma_start3A_33 = tpu.memref_slice %arg3[%dma_start3A_31, %dma_start3A_32] : memref<500000x128xf32, #tpu.memory_space<hbm>> -> memref<500000x128xf32, #tpu.memory_space<hbm>>
    tpu.enqueue_indirect_dma source(%dma_start3A_33 : memref<500000x128xf32, #tpu.memory_space<hbm>>) target(%dma_start3A_27 : memref<128x128xf32, #tpu.memory_space<vmem>>) offsets(%dma_start3A_30 : memref<128xi32, #tpu.memory_space<vmem>>) semaphore(%arg12 : memref<!tpu.dma_semaphore, #tpu.memory_space<semaphore_mem>>)
    %dma_start3A_34 = arith.constant 1 : i32
    %dma_start3A_35 = arith.constant 128 : i32
    %dma_start3A_36 = arith.constant 0 : i32
    %dma_start3A_37 = tpu.memref_slice %arg8[%dma_start3A_35, %dma_start3A_36] : memref<200x128xf32, #tpu.memory_space<vmem>> -> memref<72x128xf32, #tpu.memory_space<vmem>>
    %dma_start3A_38 = arith.constant 128 : i32
    %dma_start3A_39 = tpu.memref_slice %arg6[%dma_start3A_34, %dma_start3A_38] : memref<128x200xi32, #tpu.memory_space<vmem>> -> memref<1x72xi32, #tpu.memory_space<vmem>>
    %dma_start3A_40 = tpu.memref_squeeze %dma_start3A_39 : memref<1x72xi32, #tpu.memory_space<vmem>> -> memref<72xi32, #tpu.memory_space<vmem>>
    %dma_start3A_41 = arith.constant 0 : i32
    %dma_start3A_42 = arith.constant 0 : i32
    %dma_start3A_43 = tpu.memref_slice %arg3[%dma_start3A_41, %dma_start3A_42] : memref<500000x128xf32, #tpu.memory_space<hbm>> -> memref<500000x128xf32, #tpu.memory_space<hbm>>
    tpu.enqueue_indirect_dma source(%dma_start3A_43 : memref<500000x128xf32, #tpu.memory_space<hbm>>) target(%dma_start3A_37 : memref<72x128xf32, #tpu.memory_space<vmem>>) offsets(%dma_start3A_40 : memref<72xi32, #tpu.memory_space<vmem>>) semaphore(%arg12 : memref<!tpu.dma_semaphore, #tpu.memory_space<semaphore_mem>>)
    %iota3A = tpu.iota {dimensions = array<i32: 0>} : vector<16xi32>
    %add3A_44 = arith.constant 0 : i32
    %add3A_45 = vector.broadcast %add3A_44 : i32 to vector<16xi32>
    %add3A_46 = arith.addi %iota3A, %add3A_45 : vector<16xi32>
    %iota3A_47 = tpu.iota {dimensions = array<i32: 0>} : vector<16xi32>
    %add3A_48 = arith.constant 16 : i32
    %add3A_49 = vector.broadcast %add3A_48 : i32 to vector<16xi32>
    %add3A_50 = arith.addi %iota3A_47, %add3A_49 : vector<16xi32>
    %iota3A_51 = tpu.iota {dimensions = array<i32: 0>} : vector<16xi32>
    %add3A_52 = arith.constant 32 : i32
    %add3A_53 = vector.broadcast %add3A_52 : i32 to vector<16xi32>
    %add3A_54 = arith.addi %iota3A_51, %add3A_53 : vector<16xi32>
    %iota3A_55 = tpu.iota {dimensions = array<i32: 0>} : vector<16xi32>
    %add3A_56 = arith.constant 48 : i32
    %add3A_57 = vector.broadcast %add3A_56 : i32 to vector<16xi32>
    %add3A_58 = arith.addi %iota3A_55, %add3A_57 : vector<16xi32>
    %scan3A = arith.constant 0 : i32
    %scan3A_59 = arith.constant 0 : i32
    %scan3A_60 = arith.constant 64 : i32
    %scan3A_61 = arith.addi %scan3A_59, %scan3A_60 : i32
    %scan3A_62 = arith.constant 1 : i32
    scf.for %scan3A_79 = %scan3A_59 to %scan3A_61 step %scan3A_62  : i32 {
      %mul3A_80 = arith.constant 2 : i32
      %mul3A_81 = arith.muli %scan3A_79, %mul3A_80 : i32
      %add3A_82 = arith.constant 0 : i32
      %add3A_83 = arith.addi %mul3A_81, %add3A_82 : i32
      %dma_wait3A_84 = arith.constant 0 : i32
      %dma_wait3A_85 = arith.constant 0 : i32
      %dma_wait3A_86 = arith.constant 0 : i32
      %dma_wait3A_87 = tpu.memref_slice %arg7[%dma_wait3A_85, %dma_wait3A_86] : memref<200x128xf32, #tpu.memory_space<vmem>> -> memref<128x128xf32, #tpu.memory_space<vmem>>
      %dma_wait3A_88 = arith.constant 0 : i32
      %dma_wait3A_89 = tpu.memref_slice %arg6[%dma_wait3A_84, %dma_wait3A_88] : memref<128x200xi32, #tpu.memory_space<vmem>> -> memref<1x128xi32, #tpu.memory_space<vmem>>
      %dma_wait3A_90 = tpu.memref_squeeze %dma_wait3A_89 : memref<1x128xi32, #tpu.memory_space<vmem>> -> memref<128xi32, #tpu.memory_space<vmem>>
      %dma_wait3A_91 = arith.constant 0 : i32
      %dma_wait3A_92 = arith.constant 0 : i32
      %dma_wait3A_93 = tpu.memref_slice %arg3[%dma_wait3A_91, %dma_wait3A_92] : memref<500000x128xf32, #tpu.memory_space<hbm>> -> memref<500000x128xf32, #tpu.memory_space<hbm>>
      tpu.wait_indirect_dma semaphore(%arg11 : memref<!tpu.dma_semaphore, #tpu.memory_space<semaphore_mem>>) src(%dma_wait3A_93 : memref<500000x128xf32, #tpu.memory_space<hbm>>) dst(%dma_wait3A_87 : memref<128x128xf32, #tpu.memory_space<vmem>>)
      %dma_wait3A_94 = arith.constant 0 : i32
      %dma_wait3A_95 = arith.constant 128 : i32
      %dma_wait3A_96 = arith.constant 0 : i32
      %dma_wait3A_97 = tpu.memref_slice %arg7[%dma_wait3A_95, %dma_wait3A_96] : memref<200x128xf32, #tpu.memory_space<vmem>> -> memref<72x128xf32, #tpu.memory_space<vmem>>
      %dma_wait3A_98 = arith.constant 128 : i32
      %dma_wait3A_99 = tpu.memref_slice %arg6[%dma_wait3A_94, %dma_wait3A_98] : memref<128x200xi32, #tpu.memory_space<vmem>> -> memref<1x72xi32, #tpu.memory_space<vmem>>
      %dma_wait3A_100 = tpu.memref_squeeze %dma_wait3A_99 : memref<1x72xi32, #tpu.memory_space<vmem>> -> memref<72xi32, #tpu.memory_space<vmem>>
      %dma_wait3A_101 = arith.constant 0 : i32
      %dma_wait3A_102 = arith.constant 0 : i32
      %dma_wait3A_103 = tpu.memref_slice %arg3[%dma_wait3A_101, %dma_wait3A_102] : memref<500000x128xf32, #tpu.memory_space<hbm>> -> memref<500000x128xf32, #tpu.memory_space<hbm>>
      tpu.wait_indirect_dma semaphore(%arg11 : memref<!tpu.dma_semaphore, #tpu.memory_space<semaphore_mem>>) src(%dma_wait3A_103 : memref<500000x128xf32, #tpu.memory_space<hbm>>) dst(%dma_wait3A_97 : memref<72x128xf32, #tpu.memory_space<vmem>>)
      %scan3A_104 = arith.constant 0 : i32
      %scan3A_105 = arith.constant 0 : i32
      %scan3A_106 = arith.constant 200 : i32
      %scan3A_107 = arith.addi %scan3A_105, %scan3A_106 : i32
      %scan3A_108 = arith.constant 1 : i32
      scf.for %scan3A_167 = %scan3A_105 to %scan3A_107 step %scan3A_108  : i32 {
        %broadcast_in_dim3A = vector.broadcast %add3A_83 : i32 to vector<16xi32>
        %broadcast_in_dim3A_168 = vector.broadcast %scan3A_167 : i32 to vector<16xi32>
        %gather3A = tpu.vector_load_idx %arg5[%broadcast_in_dim3A, %broadcast_in_dim3A_168] : memref<128x200xi32, #tpu.memory_space<vmem>>[vector<16xi32>, vector<16xi32>], vector<16xi32>,
        %rem3A = arith.constant 2 : i32
        %rem3A_169 = vector.broadcast %rem3A : i32 to vector<16xi32>
        %rem3A_170 = arith.remsi %gather3A, %rem3A_169 : vector<16xi32>
        %mul3A_171 = arith.constant 64 : i32
        %mul3A_172 = vector.broadcast %mul3A_171 : i32 to vector<16xi32>
        %mul3A_173 = arith.muli %rem3A_170, %mul3A_172 : vector<16xi32>
        %add3A_174 = arith.addi %mul3A_173, %add3A_46 : vector<16xi32>
        %gather3A_175 = tpu.vector_load_idx %arg7[%broadcast_in_dim3A_168, %add3A_174] : memref<200x128xf32, #tpu.memory_space<vmem>>[vector<16xi32>, vector<16xi32>], vector<16xf32>,
        %mul3A_176 = arith.constant 8.000000e+00 : f32
        %mul3A_177 = vector.broadcast %mul3A_176 : f32 to vector<16xf32>
        %mul3A_178 = arith.mulf %gather3A_175, %mul3A_177 : vector<16xf32>
        %swap3A = arith.index_cast %scan3A_167 : i32 to index
        %swap3A_179 = arith.constant 0 : index
        %swap3A_180 = tpu.vector_load %arg9[%swap3A, %swap3A_179] {strides = array<i32>} : memref<200x64xf32, #tpu.memory_space<vmem>>, vector<16xf32>,
        tpu.vector_store %arg9[%swap3A, %swap3A_179], %mul3A_178 {strides = array<i32>} : memref<200x64xf32, #tpu.memory_space<vmem>>, vector<16xf32>,
        %add3A_181 = arith.addi %mul3A_173, %add3A_50 : vector<16xi32>
        %gather3A_182 = tpu.vector_load_idx %arg7[%broadcast_in_dim3A_168, %add3A_181] : memref<200x128xf32, #tpu.memory_space<vmem>>[vector<16xi32>, vector<16xi32>], vector<16xf32>,
        %mul3A_183 = arith.constant 8.000000e+00 : f32
        %mul3A_184 = vector.broadcast %mul3A_183 : f32 to vector<16xf32>
        %mul3A_185 = arith.mulf %gather3A_182, %mul3A_184 : vector<16xf32>
        %swap3A_186 = arith.index_cast %scan3A_167 : i32 to index
        %swap3A_187 = arith.constant 16 : index
        %swap3A_188 = tpu.vector_load %arg9[%swap3A_186, %swap3A_187] {strides = array<i32>} : memref<200x64xf32, #tpu.memory_space<vmem>>, vector<16xf32>,
        tpu.vector_store %arg9[%swap3A_186, %swap3A_187], %mul3A_185 {strides = array<i32>} : memref<200x64xf32, #tpu.memory_space<vmem>>, vector<16xf32>,
        %add3A_189 = arith.addi %mul3A_173, %add3A_54 : vector<16xi32>
        %gather3A_190 = tpu.vector_load_idx %arg7[%broadcast_in_dim3A_168, %add3A_189] : memref<200x128xf32, #tpu.memory_space<vmem>>[vector<16xi32>, vector<16xi32>], vector<16xf32>,
        %mul3A_191 = arith.constant 8.000000e+00 : f32
        %mul3A_192 = vector.broadcast %mul3A_191 : f32 to vector<16xf32>
        %mul3A_193 = arith.mulf %gather3A_190, %mul3A_192 : vector<16xf32>
        %swap3A_194 = arith.index_cast %scan3A_167 : i32 to index
        %swap3A_195 = arith.constant 32 : index
        %swap3A_196 = tpu.vector_load %arg9[%swap3A_194, %swap3A_195] {strides = array<i32>} : memref<200x64xf32, #tpu.memory_space<vmem>>, vector<16xf32>,
        tpu.vector_store %arg9[%swap3A_194, %swap3A_195], %mul3A_193 {strides = array<i32>} : memref<200x64xf32, #tpu.memory_space<vmem>>, vector<16xf32>,
        %add3A_197 = arith.addi %mul3A_173, %add3A_58 : vector<16xi32>
        %gather3A_198 = tpu.vector_load_idx %arg7[%broadcast_in_dim3A_168, %add3A_197] : memref<200x128xf32, #tpu.memory_space<vmem>>[vector<16xi32>, vector<16xi32>], vector<16xf32>,
        %mul3A_199 = arith.constant 8.000000e+00 : f32
        %mul3A_200 = vector.broadcast %mul3A_199 : f32 to vector<16xf32>
        %mul3A_201 = arith.mulf %gather3A_198, %mul3A_200 : vector<16xf32>
        %swap3A_202 = arith.index_cast %scan3A_167 : i32 to index
        %swap3A_203 = arith.constant 48 : index
        %swap3A_204 = tpu.vector_load %arg9[%swap3A_202, %swap3A_203] {strides = array<i32>} : memref<200x64xf32, #tpu.memory_space<vmem>>, vector<16xf32>,
        tpu.vector_store %arg9[%swap3A_202, %swap3A_203], %mul3A_201 {strides = array<i32>} : memref<200x64xf32, #tpu.memory_space<vmem>>, vector<16xf32>,
      }
      %scan3A_109 = arith.constant 200 : i32
      %add3A_110 = arith.addi %mul3A_2, %add3A_83 : i32
      %dma_start3A_111 = arith.constant 0 : i32
      %dma_start3A_112 = arith.constant 0 : i32
      %dma_start3A_113 = tpu.memref_slice %arg4[%add3A_110, %dma_start3A_111, %dma_start3A_112] : memref<4096x200x64xf32, #tpu.memory_space<hbm>> -> memref<1x200x64xf32, #tpu.memory_space<hbm>>
      %dma_start3A_114 = tpu.memref_squeeze %dma_start3A_113 : memref<1x200x64xf32, #tpu.memory_space<hbm>> -> memref<200x64xf32, #tpu.memory_space<hbm>>
      %dma_start3A_115 = arith.constant 0 : i32
      %dma_start3A_116 = arith.constant 0 : i32
      %dma_start3A_117 = tpu.memref_slice %arg4[%add3A_110, %dma_start3A_115, %dma_start3A_116] : memref<4096x200x64xf32, #tpu.memory_space<hbm>> -> memref<1x200x64xf32, #tpu.memory_space<hbm>>
      %dma_start3A_118 = tpu.memref_squeeze %dma_start3A_117 : memref<1x200x64xf32, #tpu.memory_space<hbm>> -> memref<200x64xf32, #tpu.memory_space<hbm>>
      tpu.enqueue_dma source(%arg9 : memref<200x64xf32, #tpu.memory_space<vmem>>) target(%dma_start3A_118 : memref<200x64xf32, #tpu.memory_space<hbm>>) target_semaphore(%arg13 : memref<!tpu.dma_semaphore, #tpu.memory_space<semaphore_mem>>)
      %add3A_119 = arith.constant 2 : i32
      %add3A_120 = arith.addi %add3A_83, %add3A_119 : i32
      %lt3A = arith.constant 128 : i32
      %lt3A_121 = arith.cmpi slt, %add3A_120, %lt3A : i32
      %convert_element_type3A = arith.extui %lt3A_121 : i1 to i32
      %cond3A = arith.constant 0 : i32
      %cond3A_122 = arith.cmpi ne, %convert_element_type3A, %cond3A : i32
      scf.if %cond3A_122 {
        %dma_wait3A_167 = arith.constant 0 : i32
        %dma_wait3A_168 = arith.constant 0 : i32
        %dma_wait3A_169 = tpu.memref_slice %arg4[%mul3A_2, %dma_wait3A_167, %dma_wait3A_168] : memref<4096x200x64xf32, #tpu.memory_space<hbm>> -> memref<1x200x64xf32, #tpu.memory_space<hbm>>
        %dma_wait3A_170 = tpu.memref_squeeze %dma_wait3A_169 : memref<1x200x64xf32, #tpu.memory_space<hbm>> -> memref<200x64xf32, #tpu.memory_space<hbm>>
        %dma_wait3A_171 = arith.constant 0 : i32
        %dma_wait3A_172 = arith.constant 0 : i32
        %dma_wait3A_173 = tpu.memref_slice %arg4[%mul3A_2, %dma_wait3A_171, %dma_wait3A_172] : memref<4096x200x64xf32, #tpu.memory_space<hbm>> -> memref<1x200x64xf32, #tpu.memory_space<hbm>>
        %dma_wait3A_174 = tpu.memref_squeeze %dma_wait3A_173 : memref<1x200x64xf32, #tpu.memory_space<hbm>> -> memref<200x64xf32, #tpu.memory_space<hbm>>
        tpu.wait_dma2 semaphore(%arg13 : memref<!tpu.dma_semaphore, #tpu.memory_space<semaphore_mem>>) src(%arg9 : memref<200x64xf32, #tpu.memory_space<vmem>>) dst(%dma_wait3A_174 : memref<200x64xf32, #tpu.memory_space<hbm>>)
        %add3A_175 = arith.constant 2 : i32
        %add3A_176 = arith.addi %add3A_83, %add3A_175 : i32
        %dma_start3A_177 = arith.constant 0 : i32
        %dma_start3A_178 = arith.constant 0 : i32
        %dma_start3A_179 = tpu.memref_slice %arg7[%dma_start3A_177, %dma_start3A_178] : memref<200x128xf32, #tpu.memory_space<vmem>> -> memref<128x128xf32, #tpu.memory_space<vmem>>
        %dma_start3A_180 = arith.constant 0 : i32
        %dma_start3A_181 = tpu.memref_slice %arg6[%add3A_176, %dma_start3A_180] : memref<128x200xi32, #tpu.memory_space<vmem>> -> memref<1x128xi32, #tpu.memory_space<vmem>>
        %dma_start3A_182 = tpu.memref_squeeze %dma_start3A_181 : memref<1x128xi32, #tpu.memory_space<vmem>> -> memref<128xi32, #tpu.memory_space<vmem>>
        %dma_start3A_183 = arith.constant 0 : i32
        %dma_start3A_184 = arith.constant 0 : i32
        %dma_start3A_185 = tpu.memref_slice %arg3[%dma_start3A_183, %dma_start3A_184] : memref<500000x128xf32, #tpu.memory_space<hbm>> -> memref<500000x128xf32, #tpu.memory_space<hbm>>
        tpu.enqueue_indirect_dma source(%dma_start3A_185 : memref<500000x128xf32, #tpu.memory_space<hbm>>) target(%dma_start3A_179 : memref<128x128xf32, #tpu.memory_space<vmem>>) offsets(%dma_start3A_182 : memref<128xi32, #tpu.memory_space<vmem>>) semaphore(%arg11 : memref<!tpu.dma_semaphore, #tpu.memory_space<semaphore_mem>>)
        %dma_start3A_186 = arith.constant 128 : i32
        %dma_start3A_187 = arith.constant 0 : i32
        %dma_start3A_188 = tpu.memref_slice %arg7[%dma_start3A_186, %dma_start3A_187] : memref<200x128xf32, #tpu.memory_space<vmem>> -> memref<72x128xf32, #tpu.memory_space<vmem>>
        %dma_start3A_189 = arith.constant 128 : i32
        %dma_start3A_190 = tpu.memref_slice %arg6[%add3A_176, %dma_start3A_189] : memref<128x200xi32, #tpu.memory_space<vmem>> -> memref<1x72xi32, #tpu.memory_space<vmem>>
        %dma_start3A_191 = tpu.memref_squeeze %dma_start3A_190 : memref<1x72xi32, #tpu.memory_space<vmem>> -> memref<72xi32, #tpu.memory_space<vmem>>
        %dma_start3A_192 = arith.constant 0 : i32
        %dma_start3A_193 = arith.constant 0 : i32
        %dma_start3A_194 = tpu.memref_slice %arg3[%dma_start3A_192, %dma_start3A_193] : memref<500000x128xf32, #tpu.memory_space<hbm>> -> memref<500000x128xf32, #tpu.memory_space<hbm>>
        tpu.enqueue_indirect_dma source(%dma_start3A_194 : memref<500000x128xf32, #tpu.memory_space<hbm>>) target(%dma_start3A_188 : memref<72x128xf32, #tpu.memory_space<vmem>>) offsets(%dma_start3A_191 : memref<72xi32, #tpu.memory_space<vmem>>) semaphore(%arg11 : memref<!tpu.dma_semaphore, #tpu.memory_space<semaphore_mem>>)
      } else {
      }
      %add3A_123 = arith.constant 1 : i32
      %add3A_124 = arith.addi %mul3A_81, %add3A_123 : i32
      %dma_wait3A_125 = arith.constant 0 : i32
      %dma_wait3A_126 = arith.constant 0 : i32
      %dma_wait3A_127 = arith.constant 0 : i32
      %dma_wait3A_128 = tpu.memref_slice %arg8[%dma_wait3A_126, %dma_wait3A_127] : memref<200x128xf32, #tpu.memory_space<vmem>> -> memref<128x128xf32, #tpu.memory_space<vmem>>
      %dma_wait3A_129 = arith.constant 0 : i32
      %dma_wait3A_130 = tpu.memref_slice %arg6[%dma_wait3A_125, %dma_wait3A_129] : memref<128x200xi32, #tpu.memory_space<vmem>> -> memref<1x128xi32, #tpu.memory_space<vmem>>
      %dma_wait3A_131 = tpu.memref_squeeze %dma_wait3A_130 : memref<1x128xi32, #tpu.memory_space<vmem>> -> memref<128xi32, #tpu.memory_space<vmem>>
      %dma_wait3A_132 = arith.constant 0 : i32
      %dma_wait3A_133 = arith.constant 0 : i32
      %dma_wait3A_134 = tpu.memref_slice %arg3[%dma_wait3A_132, %dma_wait3A_133] : memref<500000x128xf32, #tpu.memory_space<hbm>> -> memref<500000x128xf32, #tpu.memory_space<hbm>>
      tpu.wait_indirect_dma semaphore(%arg12 : memref<!tpu.dma_semaphore, #tpu.memory_space<semaphore_mem>>) src(%dma_wait3A_134 : memref<500000x128xf32, #tpu.memory_space<hbm>>) dst(%dma_wait3A_128 : memref<128x128xf32, #tpu.memory_space<vmem>>)
      %dma_wait3A_135 = arith.constant 0 : i32
      %dma_wait3A_136 = arith.constant 128 : i32
      %dma_wait3A_137 = arith.constant 0 : i32
      %dma_wait3A_138 = tpu.memref_slice %arg8[%dma_wait3A_136, %dma_wait3A_137] : memref<200x128xf32, #tpu.memory_space<vmem>> -> memref<72x128xf32, #tpu.memory_space<vmem>>
      %dma_wait3A_139 = arith.constant 128 : i32
      %dma_wait3A_140 = tpu.memref_slice %arg6[%dma_wait3A_135, %dma_wait3A_139] : memref<128x200xi32, #tpu.memory_space<vmem>> -> memref<1x72xi32, #tpu.memory_space<vmem>>
      %dma_wait3A_141 = tpu.memref_squeeze %dma_wait3A_140 : memref<1x72xi32, #tpu.memory_space<vmem>> -> memref<72xi32, #tpu.memory_space<vmem>>
      %dma_wait3A_142 = arith.constant 0 : i32
      %dma_wait3A_143 = arith.constant 0 : i32
      %dma_wait3A_144 = tpu.memref_slice %arg3[%dma_wait3A_142, %dma_wait3A_143] : memref<500000x128xf32, #tpu.memory_space<hbm>> -> memref<500000x128xf32, #tpu.memory_space<hbm>>
      tpu.wait_indirect_dma semaphore(%arg12 : memref<!tpu.dma_semaphore, #tpu.memory_space<semaphore_mem>>) src(%dma_wait3A_144 : memref<500000x128xf32, #tpu.memory_space<hbm>>) dst(%dma_wait3A_138 : memref<72x128xf32, #tpu.memory_space<vmem>>)
      %scan3A_145 = arith.constant 0 : i32
      %scan3A_146 = arith.constant 0 : i32
      %scan3A_147 = arith.constant 200 : i32
      %scan3A_148 = arith.addi %scan3A_146, %scan3A_147 : i32
      %scan3A_149 = arith.constant 1 : i32
      scf.for %scan3A_167 = %scan3A_146 to %scan3A_148 step %scan3A_149  : i32 {
        %broadcast_in_dim3A = vector.broadcast %add3A_124 : i32 to vector<16xi32>
        %broadcast_in_dim3A_168 = vector.broadcast %scan3A_167 : i32 to vector<16xi32>
        %gather3A = tpu.vector_load_idx %arg5[%broadcast_in_dim3A, %broadcast_in_dim3A_168] : memref<128x200xi32, #tpu.memory_space<vmem>>[vector<16xi32>, vector<16xi32>], vector<16xi32>,
        %rem3A = arith.constant 2 : i32
        %rem3A_169 = vector.broadcast %rem3A : i32 to vector<16xi32>
        %rem3A_170 = arith.remsi %gather3A, %rem3A_169 : vector<16xi32>
        %mul3A_171 = arith.constant 64 : i32
        %mul3A_172 = vector.broadcast %mul3A_171 : i32 to vector<16xi32>
        %mul3A_173 = arith.muli %rem3A_170, %mul3A_172 : vector<16xi32>
        %add3A_174 = arith.addi %mul3A_173, %add3A_46 : vector<16xi32>
        %gather3A_175 = tpu.vector_load_idx %arg8[%broadcast_in_dim3A_168, %add3A_174] : memref<200x128xf32, #tpu.memory_space<vmem>>[vector<16xi32>, vector<16xi32>], vector<16xf32>,
        %mul3A_176 = arith.constant 8.000000e+00 : f32
        %mul3A_177 = vector.broadcast %mul3A_176 : f32 to vector<16xf32>
        %mul3A_178 = arith.mulf %gather3A_175, %mul3A_177 : vector<16xf32>
        %swap3A = arith.index_cast %scan3A_167 : i32 to index
        %swap3A_179 = arith.constant 0 : index
        %swap3A_180 = tpu.vector_load %arg10[%swap3A, %swap3A_179] {strides = array<i32>} : memref<200x64xf32, #tpu.memory_space<vmem>>, vector<16xf32>,
        tpu.vector_store %arg10[%swap3A, %swap3A_179], %mul3A_178 {strides = array<i32>} : memref<200x64xf32, #tpu.memory_space<vmem>>, vector<16xf32>,
        %add3A_181 = arith.addi %mul3A_173, %add3A_50 : vector<16xi32>
        %gather3A_182 = tpu.vector_load_idx %arg8[%broadcast_in_dim3A_168, %add3A_181] : memref<200x128xf32, #tpu.memory_space<vmem>>[vector<16xi32>, vector<16xi32>], vector<16xf32>,
        %mul3A_183 = arith.constant 8.000000e+00 : f32
        %mul3A_184 = vector.broadcast %mul3A_183 : f32 to vector<16xf32>
        %mul3A_185 = arith.mulf %gather3A_182, %mul3A_184 : vector<16xf32>
        %swap3A_186 = arith.index_cast %scan3A_167 : i32 to index
        %swap3A_187 = arith.constant 16 : index
        %swap3A_188 = tpu.vector_load %arg10[%swap3A_186, %swap3A_187] {strides = array<i32>} : memref<200x64xf32, #tpu.memory_space<vmem>>, vector<16xf32>,
        tpu.vector_store %arg10[%swap3A_186, %swap3A_187], %mul3A_185 {strides = array<i32>} : memref<200x64xf32, #tpu.memory_space<vmem>>, vector<16xf32>,
        %add3A_189 = arith.addi %mul3A_173, %add3A_54 : vector<16xi32>
        %gather3A_190 = tpu.vector_load_idx %arg8[%broadcast_in_dim3A_168, %add3A_189] : memref<200x128xf32, #tpu.memory_space<vmem>>[vector<16xi32>, vector<16xi32>], vector<16xf32>,
        %mul3A_191 = arith.constant 8.000000e+00 : f32
        %mul3A_192 = vector.broadcast %mul3A_191 : f32 to vector<16xf32>
        %mul3A_193 = arith.mulf %gather3A_190, %mul3A_192 : vector<16xf32>
        %swap3A_194 = arith.index_cast %scan3A_167 : i32 to index
        %swap3A_195 = arith.constant 32 : index
        %swap3A_196 = tpu.vector_load %arg10[%swap3A_194, %swap3A_195] {strides = array<i32>} : memref<200x64xf32, #tpu.memory_space<vmem>>, vector<16xf32>,
        tpu.vector_store %arg10[%swap3A_194, %swap3A_195], %mul3A_193 {strides = array<i32>} : memref<200x64xf32, #tpu.memory_space<vmem>>, vector<16xf32>,
        %add3A_197 = arith.addi %mul3A_173, %add3A_58 : vector<16xi32>
        %gather3A_198 = tpu.vector_load_idx %arg8[%broadcast_in_dim3A_168, %add3A_197] : memref<200x128xf32, #tpu.memory_space<vmem>>[vector<16xi32>, vector<16xi32>], vector<16xf32>,
        %mul3A_199 = arith.constant 8.000000e+00 : f32
        %mul3A_200 = vector.broadcast %mul3A_199 : f32 to vector<16xf32>
        %mul3A_201 = arith.mulf %gather3A_198, %mul3A_200 : vector<16xf32>
        %swap3A_202 = arith.index_cast %scan3A_167 : i32 to index
        %swap3A_203 = arith.constant 48 : index
        %swap3A_204 = tpu.vector_load %arg10[%swap3A_202, %swap3A_203] {strides = array<i32>} : memref<200x64xf32, #tpu.memory_space<vmem>>, vector<16xf32>,
        tpu.vector_store %arg10[%swap3A_202, %swap3A_203], %mul3A_201 {strides = array<i32>} : memref<200x64xf32, #tpu.memory_space<vmem>>, vector<16xf32>,
      }
      %scan3A_150 = arith.constant 200 : i32
      %add3A_151 = arith.addi %mul3A_2, %add3A_124 : i32
      %dma_start3A_152 = arith.constant 0 : i32
      %dma_start3A_153 = arith.constant 0 : i32
      %dma_start3A_154 = tpu.memref_slice %arg4[%add3A_151, %dma_start3A_152, %dma_start3A_153] : memref<4096x200x64xf32, #tpu.memory_space<hbm>> -> memref<1x200x64xf32, #tpu.memory_space<hbm>>
      %dma_start3A_155 = tpu.memref_squeeze %dma_start3A_154 : memref<1x200x64xf32, #tpu.memory_space<hbm>> -> memref<200x64xf32, #tpu.memory_space<hbm>>
      %dma_start3A_156 = arith.constant 0 : i32
      %dma_start3A_157 = arith.constant 0 : i32
      %dma_start3A_158 = tpu.memref_slice %arg4[%add3A_151, %dma_start3A_156, %dma_start3A_157] : memref<4096x200x64xf32, #tpu.memory_space<hbm>> -> memref<1x200x64xf32, #tpu.memory_space<hbm>>
      %dma_start3A_159 = tpu.memref_squeeze %dma_start3A_158 : memref<1x200x64xf32, #tpu.memory_space<hbm>> -> memref<200x64xf32, #tpu.memory_space<hbm>>
      tpu.enqueue_dma source(%arg10 : memref<200x64xf32, #tpu.memory_space<vmem>>) target(%dma_start3A_159 : memref<200x64xf32, #tpu.memory_space<hbm>>) target_semaphore(%arg14 : memref<!tpu.dma_semaphore, #tpu.memory_space<semaphore_mem>>)
      %add3A_160 = arith.constant 2 : i32
      %add3A_161 = arith.addi %add3A_124, %add3A_160 : i32
      %lt3A_162 = arith.constant 128 : i32
      %lt3A_163 = arith.cmpi slt, %add3A_161, %lt3A_162 : i32
      %convert_element_type3A_164 = arith.extui %lt3A_163 : i1 to i32
      %cond3A_165 = arith.constant 0 : i32
      %cond3A_166 = arith.cmpi ne, %convert_element_type3A_164, %cond3A_165 : i32
      scf.if %cond3A_166 {
        %dma_wait3A_167 = arith.constant 0 : i32
        %dma_wait3A_168 = arith.constant 0 : i32
        %dma_wait3A_169 = tpu.memref_slice %arg4[%mul3A_2, %dma_wait3A_167, %dma_wait3A_168] : memref<4096x200x64xf32, #tpu.memory_space<hbm>> -> memref<1x200x64xf32, #tpu.memory_space<hbm>>
        %dma_wait3A_170 = tpu.memref_squeeze %dma_wait3A_169 : memref<1x200x64xf32, #tpu.memory_space<hbm>> -> memref<200x64xf32, #tpu.memory_space<hbm>>
        %dma_wait3A_171 = arith.constant 0 : i32
        %dma_wait3A_172 = arith.constant 0 : i32
        %dma_wait3A_173 = tpu.memref_slice %arg4[%mul3A_2, %dma_wait3A_171, %dma_wait3A_172] : memref<4096x200x64xf32, #tpu.memory_space<hbm>> -> memref<1x200x64xf32, #tpu.memory_space<hbm>>
        %dma_wait3A_174 = tpu.memref_squeeze %dma_wait3A_173 : memref<1x200x64xf32, #tpu.memory_space<hbm>> -> memref<200x64xf32, #tpu.memory_space<hbm>>
        tpu.wait_dma2 semaphore(%arg14 : memref<!tpu.dma_semaphore, #tpu.memory_space<semaphore_mem>>) src(%arg10 : memref<200x64xf32, #tpu.memory_space<vmem>>) dst(%dma_wait3A_174 : memref<200x64xf32, #tpu.memory_space<hbm>>)
        %add3A_175 = arith.constant 2 : i32
        %add3A_176 = arith.addi %add3A_124, %add3A_175 : i32
        %dma_start3A_177 = arith.constant 0 : i32
        %dma_start3A_178 = arith.constant 0 : i32
        %dma_start3A_179 = tpu.memref_slice %arg8[%dma_start3A_177, %dma_start3A_178] : memref<200x128xf32, #tpu.memory_space<vmem>> -> memref<128x128xf32, #tpu.memory_space<vmem>>
        %dma_start3A_180 = arith.constant 0 : i32
        %dma_start3A_181 = tpu.memref_slice %arg6[%add3A_176, %dma_start3A_180] : memref<128x200xi32, #tpu.memory_space<vmem>> -> memref<1x128xi32, #tpu.memory_space<vmem>>
        %dma_start3A_182 = tpu.memref_squeeze %dma_start3A_181 : memref<1x128xi32, #tpu.memory_space<vmem>> -> memref<128xi32, #tpu.memory_space<vmem>>
        %dma_start3A_183 = arith.constant 0 : i32
        %dma_start3A_184 = arith.constant 0 : i32
        %dma_start3A_185 = tpu.memref_slice %arg3[%dma_start3A_183, %dma_start3A_184] : memref<500000x128xf32, #tpu.memory_space<hbm>> -> memref<500000x128xf32, #tpu.memory_space<hbm>>
        tpu.enqueue_indirect_dma source(%dma_start3A_185 : memref<500000x128xf32, #tpu.memory_space<hbm>>) target(%dma_start3A_179 : memref<128x128xf32, #tpu.memory_space<vmem>>) offsets(%dma_start3A_182 : memref<128xi32, #tpu.memory_space<vmem>>) semaphore(%arg12 : memref<!tpu.dma_semaphore, #tpu.memory_space<semaphore_mem>>)
        %dma_start3A_186 = arith.constant 128 : i32
        %dma_start3A_187 = arith.constant 0 : i32
        %dma_start3A_188 = tpu.memref_slice %arg8[%dma_start3A_186, %dma_start3A_187] : memref<200x128xf32, #tpu.memory_space<vmem>> -> memref<72x128xf32, #tpu.memory_space<vmem>>
        %dma_start3A_189 = arith.constant 128 : i32
        %dma_start3A_190 = tpu.memref_slice %arg6[%add3A_176, %dma_start3A_189] : memref<128x200xi32, #tpu.memory_space<vmem>> -> memref<1x72xi32, #tpu.memory_space<vmem>>
        %dma_start3A_191 = tpu.memref_squeeze %dma_start3A_190 : memref<1x72xi32, #tpu.memory_space<vmem>> -> memref<72xi32, #tpu.memory_space<vmem>>
        %dma_start3A_192 = arith.constant 0 : i32
        %dma_start3A_193 = arith.constant 0 : i32
        %dma_start3A_194 = tpu.memref_slice %arg3[%dma_start3A_192, %dma_start3A_193] : memref<500000x128xf32, #tpu.memory_space<hbm>> -> memref<500000x128xf32, #tpu.memory_space<hbm>>
        tpu.enqueue_indirect_dma source(%dma_start3A_194 : memref<500000x128xf32, #tpu.memory_space<hbm>>) target(%dma_start3A_188 : memref<72x128xf32, #tpu.memory_space<vmem>>) offsets(%dma_start3A_191 : memref<72xi32, #tpu.memory_space<vmem>>) semaphore(%arg12 : memref<!tpu.dma_semaphore, #tpu.memory_space<semaphore_mem>>)
      } else {
      }
    }
    %scan3A_63 = arith.constant 64 : i32
    %dma_wait3A = arith.constant 0 : i32
    %dma_wait3A_64 = arith.constant 0 : i32
    %dma_wait3A_65 = tpu.memref_slice %arg4[%mul3A_2, %dma_wait3A, %dma_wait3A_64] : memref<4096x200x64xf32, #tpu.memory_space<hbm>> -> memref<1x200x64xf32, #tpu.memory_space<hbm>>
    %dma_wait3A_66 = tpu.memref_squeeze %dma_wait3A_65 : memref<1x200x64xf32, #tpu.memory_space<hbm>> -> memref<200x64xf32, #tpu.memory_space<hbm>>
    %dma_wait3A_67 = arith.constant 0 : i32
    %dma_wait3A_68 = arith.constant 0 : i32
    %dma_wait3A_69 = tpu.memref_slice %arg4[%mul3A_2, %dma_wait3A_67, %dma_wait3A_68] : memref<4096x200x64xf32, #tpu.memory_space<hbm>> -> memref<1x200x64xf32, #tpu.memory_space<hbm>>
    %dma_wait3A_70 = tpu.memref_squeeze %dma_wait3A_69 : memref<1x200x64xf32, #tpu.memory_space<hbm>> -> memref<200x64xf32, #tpu.memory_space<hbm>>
    tpu.wait_dma2 semaphore(%arg13 : memref<!tpu.dma_semaphore, #tpu.memory_space<semaphore_mem>>) src(%arg9 : memref<200x64xf32, #tpu.memory_space<vmem>>) dst(%dma_wait3A_70 : memref<200x64xf32, #tpu.memory_space<hbm>>)
    %dma_wait3A_71 = arith.constant 0 : i32
    %dma_wait3A_72 = arith.constant 0 : i32
    %dma_wait3A_73 = tpu.memref_slice %arg4[%mul3A_2, %dma_wait3A_71, %dma_wait3A_72] : memref<4096x200x64xf32, #tpu.memory_space<hbm>> -> memref<1x200x64xf32, #tpu.memory_space<hbm>>
    %dma_wait3A_74 = tpu.memref_squeeze %dma_wait3A_73 : memref<1x200x64xf32, #tpu.memory_space<hbm>> -> memref<200x64xf32, #tpu.memory_space<hbm>>
    %dma_wait3A_75 = arith.constant 0 : i32
    %dma_wait3A_76 = arith.constant 0 : i32
    %dma_wait3A_77 = tpu.memref_slice %arg4[%mul3A_2, %dma_wait3A_75, %dma_wait3A_76] : memref<4096x200x64xf32, #tpu.memory_space<hbm>> -> memref<1x200x64xf32, #tpu.memory_space<hbm>>
    %dma_wait3A_78 = tpu.memref_squeeze %dma_wait3A_77 : memref<1x200x64xf32, #tpu.memory_space<hbm>> -> memref<200x64xf32, #tpu.memory_space<hbm>>
    tpu.wait_dma2 semaphore(%arg14 : memref<!tpu.dma_semaphore, #tpu.memory_space<semaphore_mem>>) src(%arg10 : memref<200x64xf32, #tpu.memory_space<vmem>>) dst(%dma_wait3A_78 : memref<200x64xf32, #tpu.memory_space<hbm>>)
    return
  }
}

</mosaic_0001>

<sc_bundles>
// kernel: kernel.3.cloned.1.call-start
scs
__scs_entry_jumppad:
0x0: {  	(pc) =	sbr.rel $0x88, $3  }
0x1: {  	(tag) =	ssettag $0x0;
	lr =	simm.s32 $0x1  }
0x2: {  	[smem:$0x3F9F] =	sst lr;
	_ =	strace $0xD0000000  }
0x3: {  	_ = 	snop  }
0x4: {  	_ = 	snop  }
0x5: {  	_ = 	snop  }
0x6: {  	_ = 	snop  }
0x7: {  	_ = 	snop  }
__scs_overlays_trampoline_lowered:
0x8: {  	[smem:$0x3FAE] =	sst s0  }
0x9: {  	[smem:$0x3FAF] =	sst s1  }
0xa: {  	[smem:$0x3FB0] =	sst s2  }
0xb: {  	[smem:$0x3FB1] =	sst s3  }
0xc: {  	[smem:$0x3FB2] =	sst s4  }
0xd: {  	[smem:$0x3FB3] =	sst s5  }
0xe: {  	[smem:$0x3FB4] =	sst s6  }
0xf: {  	[smem:$0x3FB5] =	sst s7  }
0x10: {  	[smem:$0x3FB6] =	sst s8  }
0x11: {  	[smem:$0x3FB7] =	sst s9;
	s0 =	simm.s32 @!p0 $0x0  }
0x12: {  	s1 =	sld [smem:$0x3F9D];
	s0 =	simm.s32 @p0 $0x1  }
0x13: {  	[smem:$0x3FB8] =	sst s0;
	s0 =	simm.s32 @!p1 $0x0  }
0x14: {  	s2 =	sld [smem:$0x3F9C];
	s0 =	simm.s32 @p1 $0x1  }
0x15: {  	[smem:$0x3FB9] =	sst s0;
	s0 =	simm.s32 @!p2 $0x0  }
0x16: {  	s3 =	sld [smem:$0x3FDB];
	s0 =	simm.s32 @p2 $0x1  }
0x17: {  	s4 =	simm.s32 $0x1BF5;
	[smem:$0x3FBB] =	sst s0  }
0x18: {  	s0 =	sld [smem:$0x3F9E];
	_ =	swait.ge [sflag:s4], $0x0  }
0x19: {  	s7 =	sld [smem:$0x3F9F]  }
0x1a: {  	s8 =	sadd.s32 $0xFFFFE003, lr  }
0x1b: {  	s9 =	sadd.s32 $0xFFFFFEF7, lr;
	s5 =	simm.s32 $0xFFFFFFFF;
	p2 =	slt.u32 s8, $0xFFFFF086  }
0x1c: {  	p1 =	slt.u32 s9, $0xF7A;
	s5 =	simm.s32 @!p2 $0x0  }
0x1d: {  	s5 =	simm.s32 @p1 $0x1;
	p0 =	seq.s32 s7, s2  }
0x1e: {  	s7 =	smul.u32 @!p0 $0xF7A, s2;
	p2 =	seq.s32 @!p0 s5, $0x0  }
0x1f: {  	s9 =	smul.u32 $0xF7A, s1;
	s8 =	simm.s32 @!p0 $0x1BF5;
	p2 =	por !p2, p0  }
0x20: {  	[sflag:s8] =	ssyncset.s32 @!p0 $0xFFFFF086;
	s6 =	sadd.s32 @!p0 s3, s7;
	s7 =	simm.s32 @!p0 $0x108  }
0x21: {  	s3 =	sadd.s32 s3, s9;
	s6 =	sadd.s32 @!p0 $0x88, s6;
	s7 =	simm.s32 @p2 $0x1082  }
0x22: {  	[simem:s7], [sflag:s8] =	dma.local @!p0 [hbm:s6], $0xF7A  }
0x23: {  	s9 =	sor.u32 $0xD0000000, s2;
	s6 =	simm.s32 $0x108;
	_ =	swait.ge @!p0 [sflag:s8], $0x0  }
0x24: {  	s3 =	sadd.s32 $0x88, s3;
	s6 =	simm.s32 @!p1 $0x1082;
	[sflag:s4] =	ssyncset.s32 $0xFFFFF086  }
0x25: {  	[simem:s6], [sflag:s4] =	dma.local [hbm:s3], $0xF7A  }
0x26: {  	[smem:$0x3F9F] =	sst s1;
	(tag) =	ssettag s2;
	_ =	strace s9  }
0x27: {  	s1 =	sld [smem:$0x3FAF]  }
0x28: {  	s2 =	sld [smem:$0x3FB0]  }
0x29: {  	s4 =	sld [smem:$0x3FB2]  }
0x2a: {  	p0 =	seq.s32 s5, $0x0;
	s5 =	sld [smem:$0x3FB3]  }
0x2b: {  	s6 =	sld [smem:$0x3FB4]  }
0x2c: {  	s7 =	sld [smem:$0x3FB5]  }
0x2d: {  	s3 =	simm.s32 $0x108;
	s8 =	sld [smem:$0x3FB6]  }
0x2e: {  	s3 =	simm.s32 @!p0 $0x1082;
	s9 =	sld [smem:$0x3FB7]  }
0x2f: {  	lr =	sadd.s32 s0, s3;
	s0 =	sld [smem:$0x3FAE]  }
0x30: {  	s3 =	sld [smem:$0x3FB1]  }
0x31: {  	[smem:$0x3FBA] =	sst s10  }
0x32: {  	s10 =	sld [smem:$0x3FB8];
	_ =	sdelay $0x3  }
0x33: {  	p0 =	seq.s32 s10, $0x1;
	s10 =	sld [smem:$0x3FBA];
	_ =	sdelay $0x3  }
0x34: {  	[smem:$0x3FBA] =	sst s10  }
0x35: {  	s10 =	sld [smem:$0x3FB9];
	_ =	sdelay $0x3  }
0x36: {  	p1 =	seq.s32 s10, $0x1;
	s10 =	sld [smem:$0x3FBA];
	_ =	sdelay $0x3  }
0x37: {  	[smem:$0x3FBA] =	sst s10  }
0x38: {  	s10 =	sld [smem:$0x3FBB]  }
0x39: {  	_ = 	snop;
	(pc) =	sbr.ind lr, $3  }
0x3a: {  	_ = 	snop  }
0x3b: {  	_ = 	snop  }
0x3c: {  	p2 =	seq.s32 s10, $0x1;
	s10 =	sld [smem:$0x3FBA]  }
0x3d: {  	_ =	shalt  }
0x3e: {  	_ =	shalt  }
0x3f: {  	_ =	shalt  }
0x40: {  	_ =	shalt  }
0x41: {  	_ =	shalt  }
0x42: {  	_ =	shalt  }
0x43: {  	_ =	shalt  }
0x44: {  	_ =	shalt  }
0x45: {  	_ =	shalt  }
0x46: {  	_ =	shalt  }
0x47: {  	_ =	shalt  }
0x48: {  	_ =	shalt  }
0x49: {  	_ =	shalt  }
0x4a: {  	_ =	shalt  }
0x4b: {  	_ =	shalt  }
0x4c: {  	_ =	shalt  }
0x4d: {  	_ =	shalt  }
0x4e: {  	_ =	shalt  }
0x4f: {  	_ =	shalt  }
0x50: {  	_ =	shalt  }
0x51: {  	_ =	shalt  }
0x52: {  	_ =	shalt  }
0x53: {  	_ =	shalt  }
0x54: {  	_ =	shalt  }
0x55: {  	_ =	shalt  }
0x56: {  	_ =	shalt  }
0x57: {  	_ =	shalt  }
0x58: {  	_ =	shalt  }
0x59: {  	_ =	shalt  }
0x5a: {  	_ =	shalt  }
0x5b: {  	_ =	shalt  }
0x5c: {  	_ =	shalt  }
0x5d: {  	_ =	shalt  }
0x5e: {  	_ =	shalt  }
0x5f: {  	_ =	shalt  }
0x60: {  	_ =	shalt  }
0x61: {  	_ =	shalt  }
0x62: {  	_ =	shalt  }
0x63: {  	_ =	shalt  }
0x64: {  	_ =	shalt  }
0x65: {  	_ =	shalt  }
0x66: {  	_ =	shalt  }
0x67: {  	_ =	shalt  }
0x68: {  	_ =	shalt  }
0x69: {  	_ =	shalt  }
0x6a: {  	_ =	shalt  }
0x6b: {  	_ =	shalt  }
0x6c: {  	_ =	shalt  }
0x6d: {  	_ =	shalt  }
0x6e: {  	_ =	shalt  }
0x6f: {  	_ =	shalt  }
0x70: {  	_ =	shalt  }
0x71: {  	_ =	shalt  }
0x72: {  	_ =	shalt  }
0x73: {  	_ =	shalt  }
0x74: {  	_ =	shalt  }
0x75: {  	_ =	shalt  }
0x76: {  	_ =	shalt  }
0x77: {  	_ =	shalt  }
0x78: {  	_ =	shalt  }
0x79: {  	_ =	shalt  }
0x7a: {  	_ =	shalt  }
0x7b: {  	_ =	shalt  }
0x7c: {  	_ =	shalt  }
0x7d: {  	_ =	shalt  }
0x7e: {  	_ =	shalt  }
0x7f: {  	_ =	shalt  }
0x80: {  	_ =	shalt  }
0x81: {  	_ =	shalt  }
0x82: {  	_ =	shalt  }
0x83: {  	_ =	shalt  }
0x84: {  	_ =	shalt  }
0x85: {  	_ =	shalt  }
0x86: {  	_ =	shalt  }
0x87: {  	_ =	shalt  }
.Lfunc_end0:
.L_simem_size_0:
called_computation.1_lowered:
.L_overlay_start_0:
0x88: {  	s2 =	sld [smem:$0x3FD9]  }
0x89: {  	s3 =	sld [smem:$0x3FFE];
	_ =	sdelay $0x1  }
0x8a: {  	s1 =	srdreg.scid  }
0x8b: {  	s0 =	sand.u32 $0x1, s1  }
0x8c: {  	s17 =	sshll.u32 s0, $0xA;
	s2 =	sadd.s32 s3, s2  }
0x8d: {  	s2 =	sadd.s32 s2, s17  }
0x8e: {  	[smem:$0x3FC6] =	sst s2  }
0x8f: {  	_ = 	snop  }
0x90: {  	s2 =	sld [smem:$0x3FD0];
	(tm) =	ssettm $0x1  }
0x91: {  	s18 =	sld [smem:$0x3FFB];
	_ =	sdelay $0x3  }
0x92: {  	_ =	strace s18  }
0x93: {  	s3 =	sld [smem:$0x3FFC];
	_ =	sdelay $0x3  }
0x94: {  	_ =	strace s3  }
0x95: {  	s3 =	sld [smem:$0x3FFD];
	_ =	sdelay $0x3  }
0x96: {  	_ =	strace s3  }
0x97: {  	_ =	strace $0x8FFFFFFF  }
0x98: {  	s19 =	sld [smem:$0x3FDB];
	_ =	sdelay $0x1  }
0x99: {  	s4 =	simm.s32 $_scs_section_size  }
0x9a: {  	s5 =	simm.s32 $_size__tile_overlayer_lowered;
	s6 =	simm.s32 $_tile_overlayer_lowered  }
0x9b: {  	s22 =	simm.s32 $0x1BFF;
	s21 =	sshll.u32 s6, $0x1;
	s3 =	sadd.s32 s4, s19  }
0x9c: {  	s7 =	simm.s32 $0x0;
	s20 =	sshll.u32 s5, $0x1;
	s5 =	sadd.s32 s21, s3  }
0x9d: {  	[timem:s7], [sflag:s22] =	dma.local [hbm:s5], s20  }
0x9e: {  	_ =	swait.ge [sflag:s22], s20  }
0x9f: {  	s4 =	ssub.s32 $0x0, s20;
	[sflag:s22] =	ssyncset.done $0x0  }
0xa0: {  	[sflag:s22] =	ssyncadd.s32 s4;
	_ =	sdelay $0x1  }
0xa1: {  	s23 =	simm.s32 $0x1B8B  }
0xa2: {  	_ =	swait.ge [sflag:s23], $0x1  }
0xa3: {  	[sflag:s23] =	ssyncset.done $0x0  }
0xa4: {  	s25 =	simm.s32 $0x1B8E;
	s24 =	sld [smem:$0x3FFE];
	[sflag:s23] =	ssyncadd.s32 $0xFFFFFFFF  }
0xa5: {  	s26 =	simm.s32 $execute0_lowered;
	[smem:$0x3FD2] =	sst s25  }
0xa6: {  	s5 =	sshll.u32 s26, $0x1;
	_ =	strace $0x80000046;
	[dreg:$0x1] =	wrdreg $0xFFFFFFFF  }
0xa7: {  	s28 =	simm.s32 $_size_execute0_lowered;
	s3 =	sadd.s32 s3, s5;
	[dreg:$0x0] =	wrdreg $0x0  }
0xa8: {  	s5 =	sshll.u32 s28, $0x1;
	[dreg:$0x2] =	wrdreg s3  }
0xa9: {  	[dreg:$0x3] =	wrdreg s5  }
0xaa: {  	[dreg:$0x4] =	wrdreg $0xC0  }
0xab: {  	_ =	task [dreg:s7], $0x5FFFF  }
0xac: {  	[dreg:$0x1] =	wrdreg $0xFFFFFFFF  }
0xad: {  	[dreg:$0x0] =	wrdreg $0x60  }
0xae: {  	[dreg:$0x2] =	wrdreg s24  }
0xaf: {  	[dreg:$0x3] =	wrdreg s2  }
0xb0: {  	[dreg:$0x4] =	wrdreg $0x9  }
0xb1: {  	_ =	task.clear_ibuf [dreg:s7], $0x5FFFF;
	_ =	strace $0x90000046  }
0xb2: {  	s29 =	simm.s32 $0x9;
	_ =	strace $0x80000048  }
0xb3: {  	_ =	swait.ge [sflag:s29], $0x1  }
0xb4: {  	[sflag:s29] =	ssyncadd.s32 $0xFFFFFFFF  }
0xb5: {  	_ =	strace $0x90000048  }
0xb6: {  	_ =	sfence  }
0xb7: {  	s30 =	sld [smem:$0x0];
	_ =	sdelay $0x2  }
0xb8: {  	s31 =	sshll.u32 s1, $0xD;
	s1 =	sshrl.u32 s1, $0x2  }
0xb9: {  	s3 =	sand.u32 $0x4000, s31;
	s1 =	sadd.s32 s1, s30  }
0xba: {  	s0 =	sor.u32 s3, s0;
	s1 =	sshll.u32 s1, $0x11  }
0xbb: {  	s0 =	sor.u32 s1, s0  }
0xbc: {  	s0 =	sadd.s32 $0x8F2B, s0  }
0xbd: {  	[sflag:s0] =	ssyncadd.remote.s32 $0x1  }
0xbe: {  	_ =	sfence.sel $0xFFFF  }
0xbf: {  	[dreg:$0x0] =	wrdreg $0xFFFFFFFF;
	(pc) =	sbr.abs _section_cstart, $3  }
0xc0: {  	[dreg:$0x1] =	wrdreg $0xFFFFFFFF  }
0xc1: {  	_ =	task.clear_ibuf [dreg:s7], $0x2FFFF;
	_ =	strace $0x9FFFFFFF  }
0xc2: {  	(tm) =	ssettm $0x7FFFFFFF  }
0xc3: {  	_ =	shalt  }
tec
execute0_lowered:
.L_overlay_start_1:
0x0: {  	(tag) =	ssettag $0x1  }
0x1: {  	s0 =	srdreg.scid;
	s1 =	rddreg [dreg:$0x0]  }
0x2: {  	s3 =	stileid.u32;
	s2 =	rddreg [dreg:$0x1];
	s8 =	simm.s32 $0x5  }
0x3: {  	s9 =	simm.s32 $0x80;
	s10 =	simm.s32 $0x6400;
	s11 =	simm.s32 $0xC800  }
0x4: {  	s12 =	simm.s32 $0x48;
	s13 =	simm.s32 $0x6480;
	s14 =	simm.s32 $0x10800  }
0x5: {  	s15 =	simm.s32 $0x64C8;
	s16 =	simm.s32 $0x12C00;
	s17 =	simm.s32 $0x6548  }
0x6: {  	s18 =	simm.s32 $0x16C00;
	s19 =	simm.s32 $0x1;
	s20 =	simm.s32 $0x19000  }
0x7: {  	s21 =	simm.s32 $0x2;
	s22 =	simm.s32 $0x1C200;
	s0 =	sand.u32 $0x1, s0  }
0x8: {  	s23 =	simm.s32 $0x3;
	s3 =	sshll.u32 s3, $0x8;
	s4 =	sshll.u32 s0, $0x7  }
.Ltmp0:
0x9: {  	s24 =	simm.s32 $0x4;
	s3 =	sor.u32 s4, s3;
	(pc) =	sbr.rel .LBB2_1-.Ltmp0, $4  }
0xa: {  	s0 =	ssub.s32 $0x2, s0;
	s4 =	simm.s32 $0x0;
	s5 =	smul.u32 $0x19, s3  }
0xb: {  	s25 =	simm.s32 $0x0;
	s6 =	sshrl.u32 s0, $0x1;
	[smem:$0x7FF] =	sst s4  }
0xc: {  	v0 =	vlaneseq.u32;
	s0 =	ssub.s32 s0, s6;
	_ =	strace $0x80000047;
	s7 =	sadd.s32 s5, s1  }
0xd: {  	v1 =	vor.u32 $0x10, v0;
	v2 =	vor.u32 $0x20, v0;
	v3 =	vor.u32 $0x30, v0;
	s5 =	sadd.s32 $0xF42E00, s1;
	s6 =	sadd.s32 $0xA00, s7;
	s7 =	smax.u32 s0, $0x1  }
.LBB2_10:
0xe: {  	s25 =	sadd.s32 $0x1, s25  }
0xf: {  	_ =	swait.ge [sflag:s23], $0x3200;
	p0 =	sne.s32 s25, s7  }
.Ltmp1:
0x10: {  	[sflag:s23] =	ssyncset.done $0x0;
	(pc) =	sbr.rel @!p0 .LBB2_11-.Ltmp1, $4  }
0x11: {  	[sflag:s23] =	ssyncadd.s32 $0xFFFFCE00  }
0x12: {  	_ =	swait.ge [sflag:s24], $0x3200  }
0x13: {  	[sflag:s24] =	ssyncset.done $0x0  }
0x14: {  	[sflag:s24] =	ssyncadd.s32 $0xFFFFCE00  }
.LBB2_1:
0x15: {  	[tilespmem:s4], [sflag:$0x5] =	stream.linear.gather [hbm4b:s6+s4], $0x6400, $0x38;
	[tilespmem:$0x1F400] =	vst v63  }
0x16: {  	_ =	swait.ge [sflag:s8], $0x6400  }
0x17: {  	[sflag:s8] =	ssyncset.done $0x0  }
0x18: {  	s1 =	simm.s32 $0x190;
	[sflag:s8] =	ssyncadd.s32 $0xFFFF9C00  }
0x19: {  	v4 =	vld [tilespmem:s1+$0xC8];
	_ =	sdelay $0x3  }
0x1a: {  	v5 =	vld [tilespmem:s1+$0xFFFFFF38]  }
0x1b: {  	v6 =	vshrl.u32 v4, $0x1F  }
0x1c: {  	v7 =	vld [tilespmem:s1+$0xFFFFFE70];
	v4 =	vadd.s32 v6, v4  }
0x1d: {  	s26 =	simm.s32 $0x6590;
	v4 =	vshra.s32 v4, $0x1  }
0x1e: {  	v6 =	vld [tilespmem:s1+$0x0];
	[tilespmem:s26+$0xC8] =	vst v4  }
0x1f: {  	v4 =	vshrl.u32 v5, $0x1F;
	v8 =	vld [tilespmem:s1+$0xD8]  }
0x20: {  	v4 =	vadd.s32 v4, v5  }
0x21: {  	v5 =	vshrl.u32 v7, $0x1F;
	v4 =	vshra.s32 v4, $0x1  }
0x22: {  	[tilespmem:s26+$0xFFFFFF38] =	vst v4;
	v4 =	vadd.s32 v5, v7  }
0x23: {  	v5 =	vshrl.u32 v6, $0x1F;
	v7 =	vld [tilespmem:s1+$0xFFFFFF48];
	v4 =	vshra.s32 v4, $0x1  }
0x24: {  	v5 =	vadd.s32 v5, v6;
	[tilespmem:s26+$0xFFFFFE70] =	vst v4;
	v4 =	vshrl.u32 v8, $0x1F  }
0x25: {  	v5 =	vshra.s32 v5, $0x1;
	v6 =	vld [tilespmem:s1+$0xFFFFFE80];
	v4 =	vadd.s32 v4, v8  }
0x26: {  	[tilespmem:s26+$0x0] =	vst v5;
	v4 =	vshra.s32 v4, $0x1  }
0x27: {  	v5 =	vld [tilespmem:s1+$0x10];
	[tilespmem:s26+$0xD8] =	vst v4  }
0x28: {  	v4 =	vshrl.u32 v7, $0x1F;
	v8 =	vld [tilespmem:s1+$0xE8]  }
0x29: {  	v4 =	vadd.s32 v4, v7  }
0x2a: {  	v4 =	vshra.s32 v4, $0x1;
	v7 =	vshrl.u32 v6, $0x1F  }
0x2b: {  	[tilespmem:s26+$0xFFFFFF48] =	vst v4;
	v4 =	vadd.s32 v7, v6  }
0x2c: {  	v6 =	vshrl.u32 v5, $0x1F;
	v7 =	vld [tilespmem:s1+$0xFFFFFF58];
	v4 =	vshra.s32 v4, $0x1  }
0x2d: {  	v5 =	vadd.s32 v6, v5;
	[tilespmem:s26+$0xFFFFFE80] =	vst v4;
	v4 =	vshrl.u32 v8, $0x1F  }
0x2e: {  	v5 =	vshra.s32 v5, $0x1;
	v6 =	vld [tilespmem:s1+$0xFFFFFE90];
	v4 =	vadd.s32 v4, v8  }
0x2f: {  	[tilespmem:s26+$0x10] =	vst v5;
	v4 =	vshra.s32 v4, $0x1  }
0x30: {  	v5 =	vld [tilespmem:s1+$0x20];
	[tilespmem:s26+$0xE8] =	vst v4  }
0x31: {  	v4 =	vshrl.u32 v7, $0x1F;
	v8 =	vld [tilespmem:s1+$0xF8]  }
0x32: {  	v4 =	vadd.s32 v4, v7  }
0x33: {  	v4 =	vshra.s32 v4, $0x1;
	v7 =	vshrl.u32 v6, $0x1F  }
0x34: {  	[tilespmem:s26+$0xFFFFFF58] =	vst v4;
	v4 =	vadd.s32 v7, v6  }
0x35: {  	v6 =	vshrl.u32 v5, $0x1F;
	v7 =	vld [tilespmem:s1+$0xFFFFFF68];
	v4 =	vshra.s32 v4, $0x1  }
0x36: {  	v5 =	vadd.s32 v6, v5;
	[tilespmem:s26+$0xFFFFFE90] =	vst v4;
	v4 =	vshrl.u32 v8, $0x1F  }
0x37: {  	v5 =	vshra.s32 v5, $0x1;
	v6 =	vld [tilespmem:s1+$0xFFFFFEA0];
	v4 =	vadd.s32 v4, v8  }
0x38: {  	[tilespmem:s26+$0x20] =	vst v5;
	v4 =	vshra.s32 v4, $0x1  }
0x39: {  	v5 =	vld [tilespmem:s1+$0x30];
	[tilespmem:s26+$0xF8] =	vst v4  }
0x3a: {  	v4 =	vshrl.u32 v7, $0x1F;
	v8 =	vld [tilespmem:s1+$0x108]  }
0x3b: {  	v4 =	vadd.s32 v4, v7  }
0x3c: {  	v4 =	vshra.s32 v4, $0x1;
	v7 =	vshrl.u32 v6, $0x1F  }
0x3d: {  	[tilespmem:s26+$0xFFFFFF68] =	vst v4;
	v4 =	vadd.s32 v7, v6  }
0x3e: {  	v6 =	vshrl.u32 v5, $0x1F;
	v7 =	vld [tilespmem:s1+$0xFFFFFF78];
	v4 =	vshra.s32 v4, $0x1  }
0x3f: {  	v5 =	vadd.s32 v6, v5;
	[tilespmem:s26+$0xFFFFFEA0] =	vst v4;
	v4 =	vshrl.u32 v8, $0x1F  }
0x40: {  	v5 =	vshra.s32 v5, $0x1;
	v6 =	vld [tilespmem:s1+$0xFFFFFEB0];
	v4 =	vadd.s32 v4, v8  }
0x41: {  	[tilespmem:s26+$0x30] =	vst v5;
	v4 =	vshra.s32 v4, $0x1  }
0x42: {  	v5 =	vld [tilespmem:s1+$0x40];
	[tilespmem:s26+$0x108] =	vst v4  }
0x43: {  	v4 =	vshrl.u32 v7, $0x1F;
	v8 =	vld [tilespmem:s1+$0x118]  }
0x44: {  	v4 =	vadd.s32 v4, v7  }
0x45: {  	v4 =	vshra.s32 v4, $0x1;
	v7 =	vshrl.u32 v6, $0x1F  }
0x46: {  	[tilespmem:s26+$0xFFFFFF78] =	vst v4;
	v4 =	vadd.s32 v7, v6  }
0x47: {  	v6 =	vshrl.u32 v5, $0x1F;
	v7 =	vld [tilespmem:s1+$0xFFFFFF88];
	v4 =	vshra.s32 v4, $0x1  }
0x48: {  	v5 =	vadd.s32 v6, v5;
	[tilespmem:s26+$0xFFFFFEB0] =	vst v4;
	v4 =	vshrl.u32 v8, $0x1F  }
0x49: {  	s29 =	simm.s32 $0x4B0;
	v5 =	vshra.s32 v5, $0x1;
	v6 =	vld [tilespmem:s1+$0xFFFFFEC0];
	v4 =	vadd.s32 v4, v8  }
0x4a: {  	[tilespmem:s26+$0x40] =	vst v5;
	v5 =	vld [tilespmem:s29+$0xC8];
	v4 =	vshra.s32 v4, $0x1  }
0x4b: {  	v8 =	vld [tilespmem:s1+$0x50];
	[tilespmem:s26+$0x118] =	vst v4  }
0x4c: {  	v4 =	vshrl.u32 v7, $0x1F;
	v9 =	vld [tilespmem:s1+$0x128]  }
0x4d: {  	v4 =	vadd.s32 v4, v7;
	v7 =	vld [tilespmem:s29+$0xFFFFFF38]  }
0x4e: {  	v10 =	vld [tilespmem:s29+$0x0];
	v4 =	vshra.s32 v4, $0x1;
	v11 =	vshrl.u32 v6, $0x1F  }
0x4f: {  	[tilespmem:s26+$0xFFFFFF88] =	vst v4;
	v4 =	vadd.s32 v11, v6;
	v6 =	vld [tilespmem:s29+$0xFFFFFE70];
	v11 =	vshrl.u32 v5, $0x1F  }
0x50: {  	v12 =	vshrl.u32 v8, $0x1F;
	v4 =	vshra.s32 v4, $0x1;
	v5 =	vadd.s32 v11, v5;
	v11 =	vld [tilespmem:s1+$0xFFFFFF98]  }
0x51: {  	s28 =	simm.s32 $0x68B0;
	v8 =	vadd.s32 v12, v8;
	[tilespmem:s26+$0xFFFFFEC0] =	vst v4;
	v4 =	vshra.s32 v5, $0x1;
	v5 =	vshrl.u32 v9, $0x1F  }
0x52: {  	v8 =	vshra.s32 v8, $0x1;
	v12 =	vshrl.u32 v7, $0x1F;
	v13 =	vld [tilespmem:s1+$0xFFFFFED0];
	[tilespmem:s28+$0xC8] =	vst v4;
	v4 =	vadd.s32 v5, v9  }
0x53: {  	[tilespmem:s26+$0x50] =	vst v8;
	v5 =	vadd.s32 v12, v7;
	v7 =	vshrl.u32 v10, $0x1F;
	v8 =	vld [tilespmem:s29+$0xD8];
	v4 =	vshra.s32 v4, $0x1  }
0x54: {  	v9 =	vld [tilespmem:s1+$0x60];
	v5 =	vshra.s32 v5, $0x1;
	v7 =	vadd.s32 v7, v10;
	v10 =	vshrl.u32 v6, $0x1F;
	[tilespmem:s26+$0x128] =	vst v4  }
0x55: {  	[tilespmem:s28+$0xFFFFFF38] =	vst v5;
	v4 =	vshra.s32 v7, $0x1;
	v5 =	vadd.s32 v10, v6;
	v6 =	vshrl.u32 v11, $0x1F;
	v7 =	vld [tilespmem:s1+$0x138]  }
0x56: {  	v10 =	vld [tilespmem:s29+$0xFFFFFF48];
	[tilespmem:s28+$0x0] =	vst v4;
	v4 =	vshra.s32 v5, $0x1;
	v5 =	vadd.s32 v6, v11  }
0x57: {  	v6 =	vld [tilespmem:s29+$0x10];
	v11 =	vshrl.u32 v13, $0x1F;
	[tilespmem:s28+$0xFFFFFE70] =	vst v4;
	v4 =	vshra.s32 v5, $0x1  }
0x58: {  	v5 =	vadd.s32 v11, v13;
	v11 =	vld [tilespmem:s29+$0xFFFFFE80];
	v12 =	vshrl.u32 v8, $0x1F;
	[tilespmem:s26+$0xFFFFFF98] =	vst v4  }
0x59: {  	v4 =	vshrl.u32 v9, $0x1F;
	v5 =	vshra.s32 v5, $0x1;
	v8 =	vadd.s32 v12, v8;
	v12 =	vld [tilespmem:s1+$0xFFFFFFA8]  }
0x5a: {  	v4 =	vadd.s32 v4, v9;
	[tilespmem:s26+$0xFFFFFED0] =	vst v5;
	v5 =	vshra.s32 v8, $0x1;
	v8 =	vshrl.u32 v7, $0x1F  }
0x5b: {  	v4 =	vshra.s32 v4, $0x1;
	v9 =	vshrl.u32 v10, $0x1F;
	v13 =	vld [tilespmem:s1+$0xFFFFFEE0];
	[tilespmem:s28+$0xD8] =	vst v5;
	v5 =	vadd.s32 v8, v7  }
0x5c: {  	[tilespmem:s26+$0x60] =	vst v4;
	v7 =	vadd.s32 v9, v10;
	v4 =	vshrl.u32 v6, $0x1F;
	v8 =	vld [tilespmem:s29+$0xE8];
	v5 =	vshra.s32 v5, $0x1  }
0x5d: {  	v9 =	vld [tilespmem:s1+$0x70];
	v7 =	vshra.s32 v7, $0x1;
	v4 =	vadd.s32 v4, v6;
	v6 =	vshrl.u32 v11, $0x1F;
	[tilespmem:s26+$0x138] =	vst v5  }
0x5e: {  	[tilespmem:s28+$0xFFFFFF48] =	vst v7;
	v4 =	vshra.s32 v4, $0x1;
	v5 =	vadd.s32 v6, v11;
	v6 =	vshrl.u32 v12, $0x1F;
	v7 =	vld [tilespmem:s1+$0x148]  }
0x5f: {  	v10 =	vld [tilespmem:s29+$0xFFFFFF58];
	[tilespmem:s28+$0x10] =	vst v4;
	v4 =	vshra.s32 v5, $0x1;
	v5 =	vadd.s32 v6, v12  }
0x60: {  	v6 =	vld [tilespmem:s29+$0x20];
	v11 =	vshrl.u32 v13, $0x1F;
	[tilespmem:s28+$0xFFFFFE80] =	vst v4;
	v4 =	vshra.s32 v5, $0x1  }
0x61: {  	v5 =	vadd.s32 v11, v13;
	v11 =	vld [tilespmem:s29+$0xFFFFFE90];
	v12 =	vshrl.u32 v8, $0x1F;
	[tilespmem:s26+$0xFFFFFFA8] =	vst v4  }
0x62: {  	v4 =	vshrl.u32 v9, $0x1F;
	v5 =	vshra.s32 v5, $0x1;
	v8 =	vadd.s32 v12, v8;
	v12 =	vld [tilespmem:s1+$0xFFFFFFB8]  }
0x63: {  	v4 =	vadd.s32 v4, v9;
	[tilespmem:s26+$0xFFFFFEE0] =	vst v5;
	v5 =	vshra.s32 v8, $0x1;
	v8 =	vshrl.u32 v7, $0x1F  }
0x64: {  	v4 =	vshra.s32 v4, $0x1;
	v9 =	vshrl.u32 v10, $0x1F;
	v13 =	vld [tilespmem:s1+$0xFFFFFEF0];
	[tilespmem:s28+$0xE8] =	vst v5;
	v5 =	vadd.s32 v8, v7  }
0x65: {  	[tilespmem:s26+$0x70] =	vst v4;
	v7 =	vadd.s32 v9, v10;
	v4 =	vshrl.u32 v6, $0x1F;
	v8 =	vld [tilespmem:s29+$0xF8];
	v5 =	vshra.s32 v5, $0x1  }
0x66: {  	v9 =	vld [tilespmem:s1+$0x80];
	v7 =	vshra.s32 v7, $0x1;
	v4 =	vadd.s32 v4, v6;
	v6 =	vshrl.u32 v11, $0x1F;
	[tilespmem:s26+$0x148] =	vst v5  }
0x67: {  	[tilespmem:s28+$0xFFFFFF58] =	vst v7;
	v4 =	vshra.s32 v4, $0x1;
	v5 =	vadd.s32 v6, v11;
	v6 =	vshrl.u32 v12, $0x1F;
	v7 =	vld [tilespmem:s1+$0x158]  }
0x68: {  	v10 =	vld [tilespmem:s29+$0xFFFFFF68];
	[tilespmem:s28+$0x20] =	vst v4;
	v4 =	vshra.s32 v5, $0x1;
	v5 =	vadd.s32 v6, v12  }
0x69: {  	v6 =	vld [tilespmem:s29+$0x30];
	v11 =	vshrl.u32 v13, $0x1F;
	[tilespmem:s28+$0xFFFFFE90] =	vst v4;
	v4 =	vshra.s32 v5, $0x1  }
0x6a: {  	v5 =	vadd.s32 v11, v13;
	v11 =	vld [tilespmem:s29+$0xFFFFFEA0];
	v12 =	vshrl.u32 v8, $0x1F;
	[tilespmem:s26+$0xFFFFFFB8] =	vst v4  }
0x6b: {  	v4 =	vshrl.u32 v9, $0x1F;
	v5 =	vshra.s32 v5, $0x1;
	v8 =	vadd.s32 v12, v8;
	v12 =	vld [tilespmem:s1+$0xFFFFFFC8]  }
0x6c: {  	v4 =	vadd.s32 v4, v9;
	[tilespmem:s26+$0xFFFFFEF0] =	vst v5;
	v5 =	vshra.s32 v8, $0x1;
	v8 =	vshrl.u32 v7, $0x1F  }
0x6d: {  	v4 =	vshra.s32 v4, $0x1;
	v9 =	vshrl.u32 v10, $0x1F;
	v13 =	vld [tilespmem:s1+$0xFFFFFF00];
	[tilespmem:s28+$0xF8] =	vst v5;
	v5 =	vadd.s32 v8, v7  }
0x6e: {  	[tilespmem:s26+$0x80] =	vst v4;
	v7 =	vadd.s32 v9, v10;
	v4 =	vshrl.u32 v6, $0x1F;
	v8 =	vld [tilespmem:s29+$0x108];
	v5 =	vshra.s32 v5, $0x1  }
0x6f: {  	v9 =	vld [tilespmem:s1+$0x90];
	v7 =	vshra.s32 v7, $0x1;
	v4 =	vadd.s32 v4, v6;
	v6 =	vshrl.u32 v11, $0x1F;
	[tilespmem:s26+$0x158] =	vst v5  }
0x70: {  	[tilespmem:s28+$0xFFFFFF68] =	vst v7;
	v4 =	vshra.s32 v4, $0x1;
	v5 =	vadd.s32 v6, v11;
	v6 =	vshrl.u32 v12, $0x1F;
	v7 =	vld [tilespmem:s1+$0x168]  }
0x71: {  	v10 =	vld [tilespmem:s29+$0xFFFFFF78];
	[tilespmem:s28+$0x30] =	vst v4;
	v4 =	vshra.s32 v5, $0x1;
	v5 =	vadd.s32 v6, v12  }
0x72: {  	v6 =	vld [tilespmem:s29+$0x40];
	v11 =	vshrl.u32 v13, $0x1F;
	[tilespmem:s28+$0xFFFFFEA0] =	vst v4;
	v4 =	vshra.s32 v5, $0x1  }
0x73: {  	v5 =	vadd.s32 v11, v13;
	v11 =	vld [tilespmem:s29+$0xFFFFFEB0];
	v12 =	vshrl.u32 v8, $0x1F;
	[tilespmem:s26+$0xFFFFFFC8] =	vst v4  }
0x74: {  	v4 =	vshrl.u32 v9, $0x1F;
	v5 =	vshra.s32 v5, $0x1;
	v8 =	vadd.s32 v12, v8;
	v12 =	vld [tilespmem:s1+$0xFFFFFFD8]  }
0x75: {  	v4 =	vadd.s32 v4, v9;
	[tilespmem:s26+$0xFFFFFF00] =	vst v5;
	v5 =	vshra.s32 v8, $0x1;
	v8 =	vshrl.u32 v7, $0x1F  }
0x76: {  	v4 =	vshra.s32 v4, $0x1;
	v9 =	vshrl.u32 v10, $0x1F;
	v13 =	vld [tilespmem:s1+$0xFFFFFF10];
	[tilespmem:s28+$0x108] =	vst v5;
	v5 =	vadd.s32 v8, v7  }
0x77: {  	[tilespmem:s26+$0x90] =	vst v4;
	v7 =	vadd.s32 v9, v10;
	v4 =	vshrl.u32 v6, $0x1F;
	v8 =	vld [tilespmem:s29+$0x118];
	v5 =	vshra.s32 v5, $0x1  }
0x78: {  	v9 =	vld [tilespmem:s1+$0xA0];
	v7 =	vshra.s32 v7, $0x1;
	v4 =	vadd.s32 v4, v6;
	v6 =	vshrl.u32 v11, $0x1F;
	[tilespmem:s26+$0x168] =	vst v5  }
0x79: {  	[tilespmem:s28+$0xFFFFFF78] =	vst v7;
	v4 =	vshra.s32 v4, $0x1;
	v5 =	vadd.s32 v6, v11;
	v6 =	vshrl.u32 v12, $0x1F;
	v7 =	vld [tilespmem:s1+$0x178]  }
0x7a: {  	v10 =	vld [tilespmem:s29+$0xFFFFFF88];
	[tilespmem:s28+$0x40] =	vst v4;
	v4 =	vshra.s32 v5, $0x1;
	v5 =	vadd.s32 v6, v12  }
0x7b: {  	v6 =	vld [tilespmem:s29+$0x50];
	v11 =	vshrl.u32 v13, $0x1F;
	[tilespmem:s28+$0xFFFFFEB0] =	vst v4;
	v4 =	vshra.s32 v5, $0x1  }
0x7c: {  	v5 =	vadd.s32 v11, v13;
	v11 =	vld [tilespmem:s29+$0xFFFFFEC0];
	v12 =	vshrl.u32 v8, $0x1F;
	[tilespmem:s26+$0xFFFFFFD8] =	vst v4  }
0x7d: {  	s30 =	simm.s32 $0x7D0;
	v4 =	vshrl.u32 v9, $0x1F;
	v5 =	vshra.s32 v5, $0x1;
	v8 =	vadd.s32 v12, v8;
	v12 =	vld [tilespmem:s1+$0xFFFFFFE8]  }
0x7e: {  	v4 =	vadd.s32 v4, v9;
	[tilespmem:s26+$0xFFFFFF10] =	vst v5;
	v5 =	vld [tilespmem:s30+$0xC8];
	v8 =	vshra.s32 v8, $0x1;
	v9 =	vshrl.u32 v7, $0x1F  }
0x7f: {  	v14 =	vld [tilespmem:s30+$0xFFFFFF38];
	v4 =	vshra.s32 v4, $0x1;
	v13 =	vshrl.u32 v10, $0x1F;
	[tilespmem:s28+$0x118] =	vst v8;
	v7 =	vadd.s32 v9, v7  }
0x80: {  	[tilespmem:s26+$0xA0] =	vst v4;
	v8 =	vadd.s32 v13, v10;
	v4 =	vshrl.u32 v6, $0x1F;
	v9 =	vld [tilespmem:s29+$0x128];
	v7 =	vshra.s32 v7, $0x1  }
0x81: {  	v8 =	vshra.s32 v8, $0x1;
	v4 =	vadd.s32 v4, v6;
	v6 =	vld [tilespmem:s30+$0x0];
	v10 =	vshrl.u32 v11, $0x1F;
	[tilespmem:s26+$0x178] =	vst v7  }
0x82: {  	[tilespmem:s28+$0xFFFFFF88] =	vst v8;
	v4 =	vshra.s32 v4, $0x1;
	v7 =	vadd.s32 v10, v11;
	v8 =	vshrl.u32 v12, $0x1F;
	v10 =	vld [tilespmem:s1+$0x180]  }
0x83: {  	[tilespmem:s28+$0x50] =	vst v4;
	v4 =	vld [tilespmem:s30+$0xFFFFFE70];
	v11 =	vshrl.u32 v5, $0x1F;
	v7 =	vshra.s32 v7, $0x1;
	v8 =	vadd.s32 v8, v12  }
0x84: {  	v12 =	vshrl.u32 v14, $0x1F;
	v5 =	vadd.s32 v11, v5;
	[tilespmem:s28+$0xFFFFFEC0] =	vst v7;
	v7 =	vld [tilespmem:s29+$0xFFFFFF98];
	v8 =	vshra.s32 v8, $0x1  }
0x85: {  	s31 =	simm.s32 $0x6BD0;
	v11 =	vadd.s32 v12, v14;
	v5 =	vshra.s32 v5, $0x1;
	v12 =	vld [tilespmem:s29+$0xFFFFFED0];
	v13 =	vshrl.u32 v9, $0x1F;
	[tilespmem:s26+$0xFFFFFFE8] =	vst v8  }
0x86: {  	v8 =	vshra.s32 v11, $0x1;
	v11 =	vshrl.u32 v6, $0x1F;
	[tilespmem:s31+$0xC8] =	vst v5;
	v5 =	vld [tilespmem:s29+$0x60];
	v9 =	vadd.s32 v13, v9  }
0x87: {  	[tilespmem:s31+$0xFFFFFF38] =	vst v8;
	v6 =	vadd.s32 v11, v6;
	v8 =	vld [tilespmem:s30+$0xD8];
	v9 =	vshra.s32 v9, $0x1;
	v11 =	vshrl.u32 v10, $0x1F  }
0x88: {  	v14 =	vld [tilespmem:s30+$0xFFFFFF48];
	v13 =	vshrl.u32 v4, $0x1F;
	v6 =	vshra.s32 v6, $0x1;
	[tilespmem:s28+$0x128] =	vst v9;
	v9 =	vadd.s32 v11, v10  }
0x89: {  	v4 =	vadd.s32 v13, v4;
	[tilespmem:s31+$0x0] =	vst v6;
	v6 =	vshrl.u32 v7, $0x1F;
	v10 =	vld [tilespmem:s29+$0x138];
	v9 =	vshra.s32 v9, $0x1  }
0x8a: {  	v4 =	vshra.s32 v4, $0x1;
	v11 =	vld [tilespmem:s30+$0x10];
	v13 =	vshrl.u32 v12, $0x1F;
	v6 =	vadd.s32 v6, v7;
	[tilespmem:s26+$0x180] =	vst v9  }
0x8b: {  	[tilespmem:s31+$0xFFFFFE70] =	vst v4;
	v4 =	vadd.s32 v13, v12;
	v6 =	vshra.s32 v6, $0x1;
	v7 =	vshrl.u32 v5, $0x1F;
	v9 =	vld [tilespmem:s1+$0xFFFFFF20]  }
0x8c: {  	v12 =	vld [tilespmem:s30+$0xFFFFFE80];
	v13 =	vshrl.u32 v8, $0x1F;
	v4 =	vshra.s32 v4, $0x1;
	[tilespmem:s28+$0xFFFFFF98] =	vst v6;
	v5 =	vadd.s32 v7, v5  }
0x8d: {  	v6 =	vshrl.u32 v14, $0x1F;
	v7 =	vadd.s32 v13, v8;
	[tilespmem:s28+$0xFFFFFED0] =	vst v4;
	v4 =	vld [tilespmem:s29+$0xFFFFFFA8];
	v5 =	vshra.s32 v5, $0x1  }
0x8e: {  	v6 =	vadd.s32 v6, v14;
	v7 =	vshra.s32 v7, $0x1;
	v8 =	vld [tilespmem:s29+$0xFFFFFEE0];
	[tilespmem:s28+$0x60] =	vst v5;
	v5 =	vshrl.u32 v10, $0x1F  }
0x8f: {  	v6 =	vshra.s32 v6, $0x1;
	v13 =	vshrl.u32 v11, $0x1F;
	[tilespmem:s31+$0xD8] =	vst v7;
	v7 =	vld [tilespmem:s29+$0x70];
	v5 =	vadd.s32 v5, v10  }
0x90: {  	[tilespmem:s31+$0xFFFFFF48] =	vst v6;
	v6 =	vadd.s32 v13, v11;
	v10 =	vld [tilespmem:s30+$0xE8];
	v5 =	vshra.s32 v5, $0x1;
	v11 =	vshrl.u32 v9, $0x1F  }
0x91: {  	v14 =	vld [tilespmem:s30+$0xFFFFFF58];
	v13 =	vshrl.u32 v12, $0x1F;
	v6 =	vshra.s32 v6, $0x1;
	[tilespmem:s28+$0x138] =	vst v5;
	v5 =	vadd.s32 v11, v9  }
0x92: {  	v9 =	vadd.s32 v13, v12;
	[tilespmem:s31+$0x10] =	vst v6;
	v6 =	vshrl.u32 v4, $0x1F;
	v11 =	vld [tilespmem:s29+$0x148];
	v5 =	vshra.s32 v5, $0x1  }
0x93: {  	v9 =	vshra.s32 v9, $0x1;
	v12 =	vld [tilespmem:s30+$0x20];
	v13 =	vshrl.u32 v8, $0x1F;
	v4 =	vadd.s32 v6, v4;
	[tilespmem:s26+$0xFFFFFF20] =	vst v5  }
0x94: {  	[tilespmem:s31+$0xFFFFFE80] =	vst v9;
	v5 =	vadd.s32 v13, v8;
	v4 =	vshra.s32 v4, $0x1;
	v6 =	vshrl.u32 v7, $0x1F;
	v8 =	vld [tilespmem:s1+$0xB0]  }
0x95: {  	v9 =	vld [tilespmem:s30+$0xFFFFFE90];
	v13 =	vshrl.u32 v10, $0x1F;
	v5 =	vshra.s32 v5, $0x1;
	[tilespmem:s28+$0xFFFFFFA8] =	vst v4;
	v4 =	vadd.s32 v6, v7  }
0x96: {  	v6 =	vshrl.u32 v14, $0x1F;
	v7 =	vadd.s32 v13, v10;
	[tilespmem:s28+$0xFFFFFEE0] =	vst v5;
	v5 =	vld [tilespmem:s29+$0xFFFFFFB8];
	v4 =	vshra.s32 v4, $0x1  }
0x97: {  	v6 =	vadd.s32 v6, v14;
	v7 =	vshra.s32 v7, $0x1;
	v10 =	vld [tilespmem:s29+$0xFFFFFEF0];
	[tilespmem:s28+$0x70] =	vst v4;
	v4 =	vshrl.u32 v11, $0x1F  }
0x98: {  	v6 =	vshra.s32 v6, $0x1;
	v13 =	vshrl.u32 v12, $0x1F;
	[tilespmem:s31+$0xE8] =	vst v7;
	v7 =	vld [tilespmem:s29+$0x80];
	v4 =	vadd.s32 v4, v11  }
0x99: {  	[tilespmem:s31+$0xFFFFFF58] =	vst v6;
	v6 =	vadd.s32 v13, v12;
	v11 =	vld [tilespmem:s30+$0xF8];
	v4 =	vshra.s32 v4, $0x1;
	v12 =	vshrl.u32 v8, $0x1F  }
0x9a: {  	v14 =	vld [tilespmem:s30+$0xFFFFFF68];
	v13 =	vshrl.u32 v9, $0x1F;
	v6 =	vshra.s32 v6, $0x1;
	[tilespmem:s28+$0x148] =	vst v4;
	v4 =	vadd.s32 v12, v8  }
0x9b: {  	v8 =	vadd.s32 v13, v9;
	[tilespmem:s31+$0x20] =	vst v6;
	v6 =	vshrl.u32 v5, $0x1F;
	v9 =	vld [tilespmem:s29+$0x158];
	v4 =	vshra.s32 v4, $0x1  }
0x9c: {  	v8 =	vshra.s32 v8, $0x1;
	v12 =	vld [tilespmem:s30+$0x30];
	v13 =	vshrl.u32 v10, $0x1F;
	v5 =	vadd.s32 v6, v5;
	[tilespmem:s26+$0xB0] =	vst v4  }
0x9d: {  	[tilespmem:s31+$0xFFFFFE90] =	vst v8;
	v4 =	vadd.s32 v13, v10;
	v5 =	vshra.s32 v5, $0x1;
	v6 =	vshrl.u32 v7, $0x1F;
	v8 =	vld [tilespmem:s1+$0xFFFFFF28]  }
0x9e: {  	v10 =	vld [tilespmem:s30+$0xFFFFFEA0];
	v13 =	vshrl.u32 v11, $0x1F;
	v4 =	vshra.s32 v4, $0x1;
	[tilespmem:s28+$0xFFFFFFB8] =	vst v5;
	v5 =	vadd.s32 v6, v7  }
0x9f: {  	v6 =	vshrl.u32 v14, $0x1F;
	v7 =	vadd.s32 v13, v11;
	[tilespmem:s28+$0xFFFFFEF0] =	vst v4;
	v4 =	vld [tilespmem:s29+$0xFFFFFFC8];
	v5 =	vshra.s32 v5, $0x1  }
0xa0: {  	v6 =	vadd.s32 v6, v14;
	v7 =	vshra.s32 v7, $0x1;
	v11 =	vld [tilespmem:s29+$0xFFFFFF00];
	[tilespmem:s28+$0x80] =	vst v5;
	v5 =	vshrl.u32 v9, $0x1F  }
0xa1: {  	v6 =	vshra.s32 v6, $0x1;
	v13 =	vshrl.u32 v12, $0x1F;
	[tilespmem:s31+$0xF8] =	vst v7;
	v7 =	vld [tilespmem:s29+$0x90];
	v5 =	vadd.s32 v5, v9  }
0xa2: {  	[tilespmem:s31+$0xFFFFFF68] =	vst v6;
	v6 =	vadd.s32 v13, v12;
	v9 =	vld [tilespmem:s30+$0x108];
	v5 =	vshra.s32 v5, $0x1;
	v12 =	vshrl.u32 v8, $0x1F  }
0xa3: {  	v14 =	vld [tilespmem:s30+$0xFFFFFF78];
	v13 =	vshrl.u32 v10, $0x1F;
	v6 =	vshra.s32 v6, $0x1;
	[tilespmem:s28+$0x158] =	vst v5;
	v5 =	vadd.s32 v12, v8  }
0xa4: {  	v8 =	vadd.s32 v13, v10;
	[tilespmem:s31+$0x30] =	vst v6;
	v6 =	vshrl.u32 v4, $0x1F;
	v10 =	vld [tilespmem:s29+$0x168];
	v5 =	vshra.s32 v5, $0x1  }
0xa5: {  	v8 =	vshra.s32 v8, $0x1;
	v12 =	vld [tilespmem:s30+$0x40];
	v13 =	vshrl.u32 v11, $0x1F;
	v4 =	vadd.s32 v6, v4;
	[tilespmem:s26+$0xFFFFFF28] =	vst v5  }
0xa6: {  	[tilespmem:s31+$0xFFFFFEA0] =	vst v8;
	v5 =	vadd.s32 v13, v11;
	v4 =	vshra.s32 v4, $0x1;
	v6 =	vshrl.u32 v7, $0x1F;
	v11 =	vld [tilespmem:s1+$0xFFFFFFF0]  }
0xa7: {  	v13 =	vld [tilespmem:s30+$0xFFFFFEB0];
	v8 =	vshrl.u32 v9, $0x1F;
	v5 =	vshra.s32 v5, $0x1;
	[tilespmem:s28+$0xFFFFFFC8] =	vst v4;
	v4 =	vadd.s32 v6, v7  }
0xa8: {  	v6 =	vshrl.u32 v14, $0x1F;
	v7 =	vadd.s32 v8, v9;
	[tilespmem:s28+$0xFFFFFF00] =	vst v5;
	v15 =	vld [tilespmem:s29+$0xFFFFFFD8];
	v4 =	vshra.s32 v4, $0x1  }
0xa9: {  	v5 =	vadd.s32 v6, v14;
	v6 =	vshra.s32 v7, $0x1;
	v7 =	vld [tilespmem:s29+$0xFFFFFF10];
	[tilespmem:s28+$0x90] =	vst v4;
	v4 =	vshrl.u32 v10, $0x1F  }
0xaa: {  	v5 =	vshra.s32 v5, $0x1;
	v8 =	vshrl.u32 v12, $0x1F;
	[tilespmem:s31+$0x108] =	vst v6;
	v6 =	vld [tilespmem:s29+$0xA0];
	v4 =	vadd.s32 v4, v10  }
0xab: {  	[tilespmem:s31+$0xFFFFFF78] =	vst v5;
	v5 =	vadd.s32 v8, v12;
	v12 =	vld [tilespmem:s30+$0x118];
	v4 =	vshra.s32 v4, $0x1;
	v9 =	vshrl.u32 v11, $0x1F  }
0xac: {  	v8 =	vld [tilespmem:s30+$0xFFFFFF88];
	v10 =	vshrl.u32 v13, $0x1F;
	v5 =	vshra.s32 v5, $0x1;
	[tilespmem:s28+$0x168] =	vst v4;
	v4 =	vadd.s32 v9, v11  }
0xad: {  	v9 =	vadd.s32 v10, v13;
	[tilespmem:s31+$0x40] =	vst v5;
	v10 =	vshrl.u32 v15, $0x1F;
	v5 =	vld [tilespmem:s29+$0x178];
	v4 =	vshra.s32 v4, $0x1  }
0xae: {  	v11 =	vshra.s32 v9, $0x1;
	v9 =	vld [tilespmem:s30+$0x50];
	v13 =	vshrl.u32 v7, $0x1F;
	v10 =	vadd.s32 v10, v15;
	[tilespmem:s26+$0xFFFFFFF0] =	vst v4  }
0xaf: {  	v4 =	vld [tilespmem:s1+$0xB8];
	[tilespmem:s31+$0xFFFFFEB0] =	vst v11;
	v7 =	vadd.s32 v13, v7;
	v11 =	vshra.s32 v10, $0x1;
	v13 =	vshrl.u32 v6, $0x1F  }
0xb0: {  	v10 =	vld [tilespmem:s30+$0xFFFFFEC0];
	v14 =	vshrl.u32 v12, $0x1F;
	v7 =	vshra.s32 v7, $0x1;
	[tilespmem:s28+$0xFFFFFFD8] =	vst v11;
	v13 =	vadd.s32 v13, v6  }
0xb1: {  	s0 =	simm.s32 $0xAF0;
	s1 =	simm.s32 $0x8;
	v11 =	vshrl.u32 v8, $0x1F;
	v12 =	vadd.s32 v14, v12;
	[tilespmem:s28+$0xFFFFFF10] =	vst v7;
	v6 =	vld [tilespmem:s29+$0xFFFFFFE8];
	v7 =	vshra.s32 v13, $0x1  }
.LBB2_2:
0xb2: {  	v13 =	vld [tilespmem:s0+$0xC8];
	s1 =	sadd.s32 $0x4, s1;
	v8 =	vadd.s32 v11, v8;
	v11 =	vshra.s32 v12, $0x1;
	[tilespmem:s28+$0xA0] =	vst v7;
	v7 =	vshrl.u32 v5, $0x1F  }
0xb3: {  	v12 =	vld [tilespmem:s0+$0xFFFFFF38];
	p0 =	slt.u32 s1, $0x7C;
	v8 =	vshra.s32 v8, $0x1;
	v14 =	vshrl.u32 v9, $0x1F;
	[tilespmem:s31+$0x118] =	vst v11;
	v5 =	vadd.s32 v7, v5  }
0xb4: {  	[tilespmem:s31+$0xFFFFFF88] =	vst v8;
	v7 =	vadd.s32 v14, v9;
	v8 =	vld [tilespmem:s30+$0x128];
	v5 =	vshra.s32 v5, $0x1;
	v9 =	vshrl.u32 v4, $0x1F  }
0xb5: {  	v11 =	vld [tilespmem:s0+$0x0];
	v14 =	vshrl.u32 v10, $0x1F;
	v7 =	vshra.s32 v7, $0x1;
	[tilespmem:s28+$0x178] =	vst v5;
	v4 =	vadd.s32 v9, v4  }
0xb6: {  	v5 =	vadd.s32 v14, v10;
	[tilespmem:s31+$0x50] =	vst v7;
	v7 =	vshrl.u32 v6, $0x1F;
	v9 =	vld [tilespmem:s29+$0x180];
	v4 =	vshra.s32 v4, $0x1  }
0xb7: {  	v10 =	vld [tilespmem:s0+$0xFFFFFE70];
	v14 =	vshrl.u32 v13, $0x1F;
	v5 =	vshra.s32 v5, $0x1;
	v6 =	vadd.s32 v7, v6;
	[tilespmem:s26+$0xB8] =	vst v4;
	s26 =	smov.u32 s28;
	s28 =	smov.u32 s31  }
0xb8: {  	v4 =	vshrl.u32 v12, $0x1F;
	v7 =	vadd.s32 v14, v13;
	[tilespmem:s31+$0xFFFFFEC0] =	vst v5;
	v5 =	vld [tilespmem:s30+$0xFFFFFF98];
	v6 =	vshra.s32 v6, $0x1  }
0xb9: {  	s31 =	sadd.s32 $0x320, s31;
	v4 =	vadd.s32 v4, v12;
	v7 =	vshra.s32 v7, $0x1;
	v12 =	vld [tilespmem:s30+$0xFFFFFED0];
	v13 =	vshrl.u32 v8, $0x1F;
	[tilespmem:s26+$0xFFFFFFE8] =	vst v6  }
0xba: {  	v4 =	vshra.s32 v4, $0x1;
	v6 =	vshrl.u32 v11, $0x1F;
	[tilespmem:s31+$0xC8] =	vst v7;
	v7 =	vld [tilespmem:s30+$0x60];
	v8 =	vadd.s32 v13, v8  }
0xbb: {  	[tilespmem:s31+$0xFFFFFF38] =	vst v4;
	v4 =	vadd.s32 v6, v11;
	v6 =	vld [tilespmem:s0+$0xD8];
	v8 =	vshra.s32 v8, $0x1;
	v11 =	vshrl.u32 v9, $0x1F  }
0xbc: {  	v13 =	vshrl.u32 v10, $0x1F;
	v14 =	vld [tilespmem:s0+$0xFFFFFF48];
	v4 =	vshra.s32 v4, $0x1;
	[tilespmem:s28+$0x128] =	vst v8;
	v8 =	vadd.s32 v11, v9  }
0xbd: {  	v9 =	vadd.s32 v13, v10;
	[tilespmem:s31+$0x0] =	vst v4;
	v4 =	vshrl.u32 v5, $0x1F;
	v10 =	vld [tilespmem:s30+$0x138];
	v8 =	vshra.s32 v8, $0x1  }
0xbe: {  	v9 =	vshra.s32 v9, $0x1;
	v11 =	vld [tilespmem:s0+$0x10];
	v13 =	vshrl.u32 v12, $0x1F;
	v4 =	vadd.s32 v4, v5;
	[tilespmem:s26+$0x180] =	vst v8  }
0xbf: {  	[tilespmem:s31+$0xFFFFFE70] =	vst v9;
	v5 =	vadd.s32 v13, v12;
	v4 =	vshra.s32 v4, $0x1;
	v8 =	vshrl.u32 v7, $0x1F;
	v9 =	vld [tilespmem:s29+$0xFFFFFF20]  }
0xc0: {  	v12 =	vld [tilespmem:s0+$0xFFFFFE80];
	v13 =	vshrl.u32 v6, $0x1F;
	v5 =	vshra.s32 v5, $0x1;
	[tilespmem:s28+$0xFFFFFF98] =	vst v4;
	v4 =	vadd.s32 v8, v7  }
0xc1: {  	v7 =	vshrl.u32 v14, $0x1F;
	v6 =	vadd.s32 v13, v6;
	[tilespmem:s28+$0xFFFFFED0] =	vst v5;
	v5 =	vld [tilespmem:s30+$0xFFFFFFA8];
	v4 =	vshra.s32 v4, $0x1  }
0xc2: {  	v7 =	vadd.s32 v7, v14;
	v6 =	vshra.s32 v6, $0x1;
	v8 =	vld [tilespmem:s30+$0xFFFFFEE0];
	[tilespmem:s28+$0x60] =	vst v4;
	v4 =	vshrl.u32 v10, $0x1F  }
0xc3: {  	v7 =	vshra.s32 v7, $0x1;
	v13 =	vshrl.u32 v11, $0x1F;
	[tilespmem:s31+$0xD8] =	vst v6;
	v6 =	vld [tilespmem:s30+$0x70];
	v4 =	vadd.s32 v4, v10  }
0xc4: {  	[tilespmem:s31+$0xFFFFFF48] =	vst v7;
	v7 =	vadd.s32 v13, v11;
	v10 =	vld [tilespmem:s0+$0xE8];
	v4 =	vshra.s32 v4, $0x1;
	v11 =	vshrl.u32 v9, $0x1F  }
0xc5: {  	v13 =	vshrl.u32 v12, $0x1F;
	v14 =	vld [tilespmem:s0+$0xFFFFFF58];
	v7 =	vshra.s32 v7, $0x1;
	[tilespmem:s28+$0x138] =	vst v4;
	v4 =	vadd.s32 v11, v9  }
0xc6: {  	v9 =	vadd.s32 v13, v12;
	[tilespmem:s31+$0x10] =	vst v7;
	v7 =	vshrl.u32 v5, $0x1F;
	v11 =	vld [tilespmem:s30+$0x148];
	v4 =	vshra.s32 v4, $0x1  }
0xc7: {  	v9 =	vshra.s32 v9, $0x1;
	v12 =	vld [tilespmem:s0+$0x20];
	v13 =	vshrl.u32 v8, $0x1F;
	v5 =	vadd.s32 v7, v5;
	[tilespmem:s26+$0xFFFFFF20] =	vst v4  }
0xc8: {  	[tilespmem:s31+$0xFFFFFE80] =	vst v9;
	v4 =	vadd.s32 v13, v8;
	v5 =	vshra.s32 v5, $0x1;
	v7 =	vshrl.u32 v6, $0x1F;
	v8 =	vld [tilespmem:s29+$0xB0]  }
0xc9: {  	v9 =	vld [tilespmem:s0+$0xFFFFFE90];
	v13 =	vshrl.u32 v10, $0x1F;
	v4 =	vshra.s32 v4, $0x1;
	[tilespmem:s28+$0xFFFFFFA8] =	vst v5;
	v5 =	vadd.s32 v7, v6  }
0xca: {  	v6 =	vshrl.u32 v14, $0x1F;
	v7 =	vadd.s32 v13, v10;
	[tilespmem:s28+$0xFFFFFEE0] =	vst v4;
	v4 =	vld [tilespmem:s30+$0xFFFFFFB8];
	v5 =	vshra.s32 v5, $0x1  }
0xcb: {  	v6 =	vadd.s32 v6, v14;
	v7 =	vshra.s32 v7, $0x1;
	v10 =	vld [tilespmem:s30+$0xFFFFFEF0];
	[tilespmem:s28+$0x70] =	vst v5;
	v5 =	vshrl.u32 v11, $0x1F  }
0xcc: {  	v6 =	vshra.s32 v6, $0x1;
	v13 =	vshrl.u32 v12, $0x1F;
	[tilespmem:s31+$0xE8] =	vst v7;
	v7 =	vld [tilespmem:s30+$0x80];
	v5 =	vadd.s32 v5, v11  }
0xcd: {  	[tilespmem:s31+$0xFFFFFF58] =	vst v6;
	v6 =	vadd.s32 v13, v12;
	v11 =	vld [tilespmem:s0+$0xF8];
	v5 =	vshra.s32 v5, $0x1;
	v12 =	vshrl.u32 v8, $0x1F  }
0xce: {  	v13 =	vshrl.u32 v9, $0x1F;
	v14 =	vld [tilespmem:s0+$0xFFFFFF68];
	v6 =	vshra.s32 v6, $0x1;
	[tilespmem:s28+$0x148] =	vst v5;
	v5 =	vadd.s32 v12, v8  }
0xcf: {  	v8 =	vadd.s32 v13, v9;
	[tilespmem:s31+$0x20] =	vst v6;
	v6 =	vshrl.u32 v4, $0x1F;
	v9 =	vld [tilespmem:s30+$0x158];
	v5 =	vshra.s32 v5, $0x1  }
0xd0: {  	v8 =	vshra.s32 v8, $0x1;
	v12 =	vld [tilespmem:s0+$0x30];
	v13 =	vshrl.u32 v10, $0x1F;
	v4 =	vadd.s32 v6, v4;
	[tilespmem:s26+$0xB0] =	vst v5  }
0xd1: {  	[tilespmem:s31+$0xFFFFFE90] =	vst v8;
	v5 =	vadd.s32 v13, v10;
	v4 =	vshra.s32 v4, $0x1;
	v6 =	vshrl.u32 v7, $0x1F;
	v8 =	vld [tilespmem:s29+$0xFFFFFF28]  }
0xd2: {  	v10 =	vld [tilespmem:s0+$0xFFFFFEA0];
	v13 =	vshrl.u32 v11, $0x1F;
	v5 =	vshra.s32 v5, $0x1;
	[tilespmem:s28+$0xFFFFFFB8] =	vst v4;
	v4 =	vadd.s32 v6, v7  }
0xd3: {  	v6 =	vshrl.u32 v14, $0x1F;
	v7 =	vadd.s32 v13, v11;
	[tilespmem:s28+$0xFFFFFEF0] =	vst v5;
	v5 =	vld [tilespmem:s30+$0xFFFFFFC8];
	v4 =	vshra.s32 v4, $0x1  }
0xd4: {  	v6 =	vadd.s32 v6, v14;
	v7 =	vshra.s32 v7, $0x1;
	v11 =	vld [tilespmem:s30+$0xFFFFFF00];
	[tilespmem:s28+$0x80] =	vst v4;
	v4 =	vshrl.u32 v9, $0x1F  }
0xd5: {  	v6 =	vshra.s32 v6, $0x1;
	v13 =	vshrl.u32 v12, $0x1F;
	[tilespmem:s31+$0xF8] =	vst v7;
	v7 =	vld [tilespmem:s30+$0x90];
	v4 =	vadd.s32 v4, v9  }
0xd6: {  	[tilespmem:s31+$0xFFFFFF68] =	vst v6;
	v6 =	vadd.s32 v13, v12;
	v9 =	vld [tilespmem:s0+$0x108];
	v4 =	vshra.s32 v4, $0x1;
	v12 =	vshrl.u32 v8, $0x1F  }
0xd7: {  	v13 =	vshrl.u32 v10, $0x1F;
	v14 =	vld [tilespmem:s0+$0xFFFFFF78];
	v6 =	vshra.s32 v6, $0x1;
	[tilespmem:s28+$0x158] =	vst v4;
	v4 =	vadd.s32 v12, v8  }
0xd8: {  	v8 =	vadd.s32 v13, v10;
	[tilespmem:s31+$0x30] =	vst v6;
	v6 =	vshrl.u32 v5, $0x1F;
	v10 =	vld [tilespmem:s30+$0x168];
	v4 =	vshra.s32 v4, $0x1  }
0xd9: {  	v8 =	vshra.s32 v8, $0x1;
	v12 =	vld [tilespmem:s0+$0x40];
	v13 =	vshrl.u32 v11, $0x1F;
	v5 =	vadd.s32 v6, v5;
	[tilespmem:s26+$0xFFFFFF28] =	vst v4  }
0xda: {  	[tilespmem:s31+$0xFFFFFEA0] =	vst v8;
	v4 =	vadd.s32 v13, v11;
	v5 =	vshra.s32 v5, $0x1;
	v6 =	vshrl.u32 v7, $0x1F;
	v11 =	vld [tilespmem:s29+$0xFFFFFFF0]  }
0xdb: {  	v13 =	vld [tilespmem:s0+$0xFFFFFEB0];
	v8 =	vshrl.u32 v9, $0x1F;
	v4 =	vshra.s32 v4, $0x1;
	[tilespmem:s28+$0xFFFFFFC8] =	vst v5;
	v5 =	vadd.s32 v6, v7  }
0xdc: {  	v6 =	vshrl.u32 v14, $0x1F;
	v7 =	vadd.s32 v8, v9;
	[tilespmem:s28+$0xFFFFFF00] =	vst v4;
	v4 =	vld [tilespmem:s30+$0xFFFFFFD8];
	v5 =	vshra.s32 v5, $0x1  }
0xdd: {  	v6 =	vadd.s32 v6, v14;
	v7 =	vshra.s32 v7, $0x1;
	v14 =	vld [tilespmem:s30+$0xFFFFFF10];
	[tilespmem:s28+$0x90] =	vst v5;
	v5 =	vshrl.u32 v10, $0x1F  }
0xde: {  	v6 =	vshra.s32 v6, $0x1;
	v8 =	vshrl.u32 v12, $0x1F;
	[tilespmem:s31+$0x108] =	vst v7;
	v7 =	vld [tilespmem:s30+$0xA0];
	v5 =	vadd.s32 v5, v10  }
0xdf: {  	[tilespmem:s31+$0xFFFFFF78] =	vst v6;
	v6 =	vadd.s32 v8, v12;
	v12 =	vld [tilespmem:s0+$0x118];
	v5 =	vshra.s32 v5, $0x1;
	v9 =	vshrl.u32 v11, $0x1F  }
0xe0: {  	v10 =	vshrl.u32 v13, $0x1F;
	v8 =	vld [tilespmem:s0+$0xFFFFFF88];
	v6 =	vshra.s32 v6, $0x1;
	[tilespmem:s28+$0x168] =	vst v5;
	v9 =	vadd.s32 v9, v11  }
.Ltmp2:
0xe1: {  	v10 =	vadd.s32 v10, v13;
	[tilespmem:s31+$0x40] =	vst v6;
	v6 =	vshrl.u32 v4, $0x1F;
	v5 =	vld [tilespmem:s30+$0x178];
	v11 =	vshra.s32 v9, $0x1;
	(pc) =	sbr.rel @p0 .LBB2_2-.Ltmp2, $4  }
0xe2: {  	v10 =	vshra.s32 v10, $0x1;
	v9 =	vld [tilespmem:s0+$0x50];
	v13 =	vshrl.u32 v14, $0x1F;
	v4 =	vadd.s32 v6, v4;
	[tilespmem:s26+$0xFFFFFFF0] =	vst v11  }
0xe3: {  	[tilespmem:s31+$0xFFFFFEB0] =	vst v10;
	v6 =	vadd.s32 v13, v14;
	v11 =	vshra.s32 v4, $0x1;
	v13 =	vshrl.u32 v7, $0x1F;
	v4 =	vld [tilespmem:s29+$0xB8];
	s29 =	smov.u32 s30;
	s30 =	smov.u32 s0  }
0xe4: {  	v10 =	vld [tilespmem:s0+$0xFFFFFEC0];
	v14 =	vshrl.u32 v12, $0x1F;
	v6 =	vshra.s32 v6, $0x1;
	[tilespmem:s28+$0xFFFFFFD8] =	vst v11;
	v7 =	vadd.s32 v13, v7  }
0xe5: {  	s0 =	sadd.s32 $0x320, s0;
	v11 =	vshrl.u32 v8, $0x1F;
	v12 =	vadd.s32 v14, v12;
	[tilespmem:s28+$0xFFFFFF10] =	vst v6;
	v6 =	vld [tilespmem:s29+$0xFFFFFFE8];
	v7 =	vshra.s32 v7, $0x1  }
0xe6: {  	_ =	sdelay $0x2  }
0xe7: {  	v13 =	vshrl.u32 v10, $0x1F  }
0xe8: {  	v12 =	vshra.s32 v12, $0x1;
	v10 =	vadd.s32 v13, v10  }
0xe9: {  	v8 =	vadd.s32 v11, v8;
	v44 =	vshrl.u32 v9, $0x1F;
	[tilespmem:s31+$0x118] =	vst v12;
	v10 =	vshra.s32 v10, $0x1  }
0xea: {  	v8 =	vshra.s32 v8, $0x1;
	v9 =	vadd.s32 v44, v9;
	v45 =	vld [tilespmem:s30+$0x128];
	[tilespmem:s31+$0xFFFFFEC0] =	vst v10  }
0xeb: {  	[tilespmem:s31+$0xFFFFFF88] =	vst v8;
	v46 =	vshra.s32 v9, $0x1;
	v47 =	vld [tilespmem:s30+$0xFFFFFED0]  }
0xec: {  	v48 =	vld [tilespmem:s30+$0xFFFFFF98];
	[tilespmem:s31+$0x50] =	vst v46  }
0xed: {  	v49 =	vld [tilespmem:s30+$0x60];
	_ =	sdelay $0x1  }
0xee: {  	v50 =	vshrl.u32 v45, $0x1F  }
0xef: {  	v11 =	vadd.s32 v50, v45;
	v51 =	vshrl.u32 v47, $0x1F  }
0xf0: {  	v52 =	vshrl.u32 v48, $0x1F;
	v11 =	vshra.s32 v11, $0x1;
	v9 =	vadd.s32 v51, v47  }
0xf1: {  	v8 =	vadd.s32 v52, v48;
	[tilespmem:s31+$0x128] =	vst v11;
	v53 =	vshrl.u32 v49, $0x1F;
	v9 =	vshra.s32 v9, $0x1  }
0xf2: {  	v8 =	vshra.s32 v8, $0x1;
	v54 =	vld [tilespmem:s30+$0x138];
	v10 =	vadd.s32 v53, v49;
	[tilespmem:s31+$0xFFFFFED0] =	vst v9  }
0xf3: {  	[tilespmem:s31+$0xFFFFFF98] =	vst v8;
	v55 =	vshra.s32 v10, $0x1;
	v9 =	vld [tilespmem:s30+$0xFFFFFEE0]  }
0xf4: {  	v56 =	vld [tilespmem:s30+$0xFFFFFFA8];
	[tilespmem:s31+$0x60] =	vst v55  }
0xf5: {  	v8 =	vld [tilespmem:s30+$0x70];
	_ =	sdelay $0x1  }
0xf6: {  	v57 =	vshrl.u32 v54, $0x1F  }
0xf7: {  	v11 =	vadd.s32 v57, v54;
	v58 =	vshrl.u32 v9, $0x1F  }
0xf8: {  	v59 =	vshrl.u32 v56, $0x1F;
	v11 =	vshra.s32 v11, $0x1;
	v9 =	vadd.s32 v58, v9  }
0xf9: {  	v10 =	vadd.s32 v59, v56;
	[tilespmem:s31+$0x138] =	vst v11;
	v60 =	vshrl.u32 v8, $0x1F;
	v9 =	vshra.s32 v9, $0x1  }
0xfa: {  	v10 =	vshra.s32 v10, $0x1;
	v61 =	vld [tilespmem:s30+$0x148];
	v8 =	vadd.s32 v60, v8;
	[tilespmem:s31+$0xFFFFFEE0] =	vst v9  }
0xfb: {  	[tilespmem:s31+$0xFFFFFFA8] =	vst v10;
	v8 =	vshra.s32 v8, $0x1;
	v9 =	vld [tilespmem:s30+$0xFFFFFEF0]  }
0xfc: {  	v10 =	vld [tilespmem:s30+$0xFFFFFFB8];
	[tilespmem:s31+$0x70] =	vst v8  }
0xfd: {  	v8 =	vld [tilespmem:s30+$0x80];
	_ =	sdelay $0x1  }
0xfe: {  	v62 =	vshrl.u32 v61, $0x1F  }
0xff: {  	v11 =	vadd.s32 v62, v61;
	v63 =	vshrl.u32 v9, $0x1F  }
0x100: {  	v16 =	vshrl.u32 v10, $0x1F;
	v11 =	vshra.s32 v11, $0x1;
	v9 =	vadd.s32 v63, v9  }
0x101: {  	v10 =	vadd.s32 v16, v10;
	[tilespmem:s31+$0x148] =	vst v11;
	v17 =	vshrl.u32 v8, $0x1F;
	v9 =	vshra.s32 v9, $0x1  }
0x102: {  	v10 =	vshra.s32 v10, $0x1;
	v18 =	vld [tilespmem:s30+$0x158];
	v8 =	vadd.s32 v17, v8;
	[tilespmem:s31+$0xFFFFFEF0] =	vst v9  }
0x103: {  	[tilespmem:s31+$0xFFFFFFB8] =	vst v10;
	v8 =	vshra.s32 v8, $0x1;
	v9 =	vld [tilespmem:s30+$0xFFFFFF00]  }
0x104: {  	v10 =	vld [tilespmem:s30+$0xFFFFFFC8];
	[tilespmem:s31+$0x80] =	vst v8  }
0x105: {  	v8 =	vld [tilespmem:s30+$0x90];
	_ =	sdelay $0x1  }
0x106: {  	v19 =	vshrl.u32 v18, $0x1F  }
0x107: {  	v11 =	vadd.s32 v19, v18;
	v20 =	vshrl.u32 v9, $0x1F  }
0x108: {  	v21 =	vshrl.u32 v10, $0x1F;
	v11 =	vshra.s32 v11, $0x1;
	v9 =	vadd.s32 v20, v9  }
0x109: {  	v10 =	vadd.s32 v21, v10;
	[tilespmem:s31+$0x158] =	vst v11;
	v22 =	vshrl.u32 v8, $0x1F;
	v9 =	vshra.s32 v9, $0x1  }
0x10a: {  	v10 =	vshra.s32 v10, $0x1;
	v23 =	vld [tilespmem:s30+$0x168];
	v8 =	vadd.s32 v22, v8;
	[tilespmem:s31+$0xFFFFFF00] =	vst v9  }
0x10b: {  	[tilespmem:s31+$0xFFFFFFC8] =	vst v10;
	v8 =	vshra.s32 v8, $0x1;
	v9 =	vld [tilespmem:s30+$0xFFFFFF10]  }
0x10c: {  	v10 =	vld [tilespmem:s30+$0xFFFFFFD8];
	[tilespmem:s31+$0x90] =	vst v8  }
0x10d: {  	v8 =	vld [tilespmem:s30+$0xA0];
	_ =	sdelay $0x1  }
0x10e: {  	v24 =	vshrl.u32 v23, $0x1F  }
0x10f: {  	v25 =	vld [tilespmem:s29+$0xFFFFFF20];
	v11 =	vadd.s32 v24, v23;
	v26 =	vshrl.u32 v9, $0x1F  }
0x110: {  	[tilespmem:s28+$0xA0] =	vst v7;
	v28 =	vshrl.u32 v10, $0x1F;
	v27 =	vshra.s32 v11, $0x1;
	v9 =	vadd.s32 v26, v9  }
0x111: {  	v29 =	vld [tilespmem:s29+$0xB0];
	v30 =	vadd.s32 v28, v10;
	[tilespmem:s31+$0x168] =	vst v27;
	v31 =	vshrl.u32 v8, $0x1F;
	v9 =	vshra.s32 v9, $0x1  }
0x112: {  	v7 =	vshra.s32 v30, $0x1;
	v32 =	vld [tilespmem:s30+$0x178];
	v8 =	vadd.s32 v31, v8;
	[tilespmem:s31+$0xFFFFFF10] =	vst v9  }
0x113: {  	v33 =	vshrl.u32 v5, $0x1F;
	[tilespmem:s31+$0xFFFFFFD8] =	vst v7;
	v34 =	vshra.s32 v8, $0x1;
	v35 =	vld [tilespmem:s30+$0xFFFFFF20]  }
0x114: {  	v5 =	vadd.s32 v33, v5;
	v36 =	vshrl.u32 v25, $0x1F;
	v37 =	vld [tilespmem:s30+$0xFFFFFFE8];
	[tilespmem:s31+$0xA0] =	vst v34  }
0x115: {  	v5 =	vshra.s32 v5, $0x1;
	v38 =	vshrl.u32 v6, $0x1F;
	v39 =	vld [tilespmem:s30+$0xB0];
	v9 =	vadd.s32 v36, v25  }
0x116: {  	[tilespmem:s28+$0x178] =	vst v5;
	v5 =	vadd.s32 v38, v6;
	v41 =	vshrl.u32 v29, $0x1F;
	v40 =	vshra.s32 v9, $0x1  }
0x117: {  	v42 =	vld [tilespmem:s29+$0x180];
	v5 =	vshra.s32 v5, $0x1;
	v7 =	vadd.s32 v41, v29;
	v43 =	vshrl.u32 v32, $0x1F;
	[tilespmem:s28+$0xFFFFFF20] =	vst v40  }
0x118: {  	[tilespmem:s28+$0xFFFFFFE8] =	vst v5;
	v5 =	vshra.s32 v7, $0x1;
	v9 =	vadd.s32 v43, v32;
	v44 =	vld [tilespmem:s29+$0xFFFFFF28];
	v45 =	vshrl.u32 v35, $0x1F  }
0x119: {  	[tilespmem:s28+$0xB0] =	vst v5;
	v5 =	vld [tilespmem:s29+$0xFFFFFFF0];
	v46 =	vshrl.u32 v37, $0x1F;
	v9 =	vshra.s32 v9, $0x1;
	v8 =	vadd.s32 v45, v35  }
0x11a: {  	v47 =	vld [tilespmem:s29+$0xB8];
	v10 =	vadd.s32 v46, v37;
	[tilespmem:s31+$0x178] =	vst v9;
	v48 =	vshrl.u32 v39, $0x1F;
	v8 =	vshra.s32 v8, $0x1  }
0x11b: {  	v49 =	vshrl.u32 v4, $0x1F;
	v10 =	vshra.s32 v10, $0x1;
	v11 =	vadd.s32 v48, v39;
	v50 =	vld [tilespmem:s30+$0x180];
	[tilespmem:s31+$0xFFFFFF20] =	vst v8  }
0x11c: {  	v4 =	vadd.s32 v49, v4;
	v51 =	vshrl.u32 v42, $0x1F;
	[tilespmem:s31+$0xFFFFFFE8] =	vst v10;
	v52 =	vshra.s32 v11, $0x1;
	v53 =	vld [tilespmem:s30+$0xFFFFFF28]  }
0x11d: {  	v4 =	vshra.s32 v4, $0x1;
	v6 =	vadd.s32 v51, v42;
	v55 =	vld [tilespmem:s30+$0xFFFFFFF0];
	[tilespmem:s31+$0xB0] =	vst v52;
	v54 =	vshrl.u32 v44, $0x1F  }
0x11e: {  	[tilespmem:s26+$0xB8] =	vst v4;
	v4 =	vshra.s32 v6, $0x1;
	v57 =	vshrl.u32 v5, $0x1F;
	v58 =	vld [tilespmem:s30+$0xB8];
	v56 =	vadd.s32 v54, v44  }
0x11f: {  	[tilespmem:s28+$0x180] =	vst v4;
	v5 =	vadd.s32 v57, v5;
	v59 =	vshrl.u32 v47, $0x1F;
	v4 =	vshra.s32 v56, $0x1  }
0x120: {  	v60 =	vshrl.u32 v50, $0x1F;
	[tilespmem:s28+$0xFFFFFF28] =	vst v4;
	v4 =	vshra.s32 v5, $0x1;
	v5 =	vadd.s32 v59, v47  }
0x121: {  	[tilespmem:s28+$0xFFFFFFF0] =	vst v4;
	v4 =	vshra.s32 v5, $0x1;
	v5 =	vadd.s32 v60, v50;
	v61 =	vshrl.u32 v53, $0x1F  }
0x122: {  	v62 =	vshrl.u32 v55, $0x1F;
	[tilespmem:s28+$0xB8] =	vst v4;
	v4 =	vshra.s32 v5, $0x1;
	v5 =	vadd.s32 v61, v53  }
0x123: {  	v63 =	vshrl.u32 v58, $0x1F;
	[tilespmem:s31+$0x180] =	vst v4;
	v4 =	vshra.s32 v5, $0x1;
	v5 =	vadd.s32 v62, v55  }
0x124: {  	[tilespmem:s31+$0xFFFFFF28] =	vst v4;
	v4 =	vshra.s32 v5, $0x1;
	v5 =	vadd.s32 v63, v58  }
0x125: {  	[tilespmem:s31+$0xFFFFFFF0] =	vst v4;
	v4 =	vshra.s32 v5, $0x1  }
0x126: {  	[tilespmem:s31+$0xB8] =	vst v4  }
0x127: {  	[tilespmem:s11], [sflag:$0x1] =	stream.indirect.gather [hbm4b:s5+s9], $0x80, s10, s9, $0xb8;
	[tilespmem:$0x1F400] =	vst v63  }
0x128: {  	_ = 	snop  }
0x129: {  	[tilespmem:s14], [sflag:$0x1] =	stream.indirect.gather [hbm4b:s5+s12], $0x80, s13, s12, $0xb8;
	[tilespmem:$0x1F400] =	vst v63  }
0x12a: {  	_ = 	snop  }
0x12b: {  	[tilespmem:s16], [sflag:$0x2] =	stream.indirect.gather [hbm4b:s5+s9], $0x80, s15, s9, $0xb8;
	[tilespmem:$0x1F400] =	vst v63  }
0x12c: {  	s1 =	simm.s32 $0x0;
	s26 =	simm.s32 $0x0  }
0x12d: {  	[tilespmem:s18], [sflag:$0x2] =	stream.indirect.gather [hbm4b:s5+s12], $0x80, s17, s12, $0xb8;
	[tilespmem:$0x1F400] =	vst v63  }
.LBB2_4:
0x12e: {  	s0 =	sshll.u32 s26, $0x1  }
0x12f: {  	v4 =	vmov s0  }
0x130: {  	v4 =	vmul.u32 $0xC8, v4;
	_ =	sdelay $0x1  }
0x131: {  	v5 =	vmov s1;
	v4 =	vbroadcast v4, $0x0  }
0x132: {  	v6 =	vand.u32 $0xF8, v5  }
0x133: {  	_ =	swait.ge [sflag:s19], $0x4000;
	v7 =	vand.u32 $0x7, v5;
	v6 =	vadd.s32 v4, v6  }
0x134: {  	[sflag:s19] =	ssyncset.done $0x0;
	v6 =	vor.u32 v7, v6  }
0x135: {  	[sflag:s19] =	ssyncadd.s32 $0xFFFFC000  }
0x136: {  	_ =	swait.ge [sflag:s19], $0x2400  }
0x137: {  	[sflag:s19] =	ssyncset.done $0x0  }
0x138: {  	[sflag:s19] =	ssyncadd.s32 $0xFFFFDC00  }
0x139: {  	v6 =	vld.idx.msk [tilespmem:v6+s4+$0x0], $0xffff;
	_ =	sdelay $0x4  }
0x13a: {  	v7 =	vshrl.u32 v6, $0x1F  }
0x13b: {  	v7 =	vadd.s32 v7, v6  }
0x13c: {  	v7 =	vshrl.u32 v7, $0x1  }
0x13d: {  	v7 =	vshll.u32 v7, $0x1  }
0x13e: {  	v6 =	vsub.s32 v6, v7  }
0x13f: {  	v5 =	vshll.u32 v5, $0x7;
	v6 =	vshll.u32 v6, $0x6  }
0x140: {  	v5 =	vadd.s32 v5, v6  }
0x141: {  	v6 =	vor.u32 v0, v5;
	_ =	sdelay $0x4  }
0x142: {  	v6 =	vld.idx.msk [tilespmem:v6+s11+$0x0], $0xffff;
	_ =	sdelay $0x2  }
0x143: {  	v7 =	vor.u32 v1, v5;
	_ =	sdelay $0x1  }
0x144: {  	v6 =	vmul.f32 $8.000000000e+00, v6  }
0x145: {  	s28 =	simm.s32 $0x19020  }
0x146: {  	[tilespmem:s28+$0xFFFFFFE0] =	vst v6  }
0x147: {  	v6 =	vld.idx.msk [tilespmem:v7+s11+$0x0], $0xffff;
	_ =	sdelay $0x2  }
0x148: {  	v7 =	vor.u32 v2, v5;
	_ =	sdelay $0x1  }
0x149: {  	v6 =	vmul.f32 $8.000000000e+00, v6;
	_ =	sdelay $0x1  }
0x14a: {  	[tilespmem:s28+$0xFFFFFFF0] =	vst v6  }
0x14b: {  	v6 =	vld.idx.msk [tilespmem:v7+s11+$0x0], $0xffff;
	_ =	sdelay $0x2  }
0x14c: {  	v5 =	vor.u32 v3, v5;
	_ =	sdelay $0x1  }
0x14d: {  	v6 =	vmul.f32 $8.000000000e+00, v6;
	_ =	sdelay $0x1  }
0x14e: {  	s29 =	simm.s32 $0x1;
	[tilespmem:s28+$0x0] =	vst v6  }
0x14f: {  	v7 =	vld.idx.msk [tilespmem:v5+s11+$0x0], $0xffff;
	v5 =	vmov s29  }
0x150: {  	v6 =	vand.u32 $0xF8, v5  }
0x151: {  	v8 =	vand.u32 $0x7, v5;
	v6 =	vadd.s32 v4, v6  }
0x152: {  	v6 =	vor.u32 v8, v6;
	_ =	sdelay $0x1  }
0x153: {  	s29 =	simm.s32 $0x2;
	v7 =	vmul.f32 $8.000000000e+00, v7  }
.LBB2_5:
0x154: {  	p0 =	sne.s32 s29, $0xC7  }
0x155: {  	s30 =	smov.u32 s29;
	s29 =	sadd.s32 $0x1, s29;
	[tilespmem:s28+$0x10] =	vst v7;
	s28 =	sadd.s32 $0x40, s28  }
0x156: {  	v6 =	vld.idx.msk [tilespmem:v6+s4+$0x0], $0xffff;
	_ =	sdelay $0x5  }
0x157: {  	v7 =	vshrl.u32 v6, $0x1F  }
0x158: {  	v7 =	vadd.s32 v7, v6  }
0x159: {  	v7 =	vshrl.u32 v7, $0x1  }
0x15a: {  	v7 =	vshll.u32 v7, $0x1  }
0x15b: {  	v6 =	vsub.s32 v6, v7  }
0x15c: {  	v5 =	vshll.u32 v5, $0x7;
	v6 =	vshll.u32 v6, $0x6  }
0x15d: {  	v5 =	vadd.s32 v5, v6  }
0x15e: {  	v6 =	vor.u32 v0, v5;
	_ =	sdelay $0x4  }
0x15f: {  	v6 =	vld.idx.msk [tilespmem:v6+s11+$0x0], $0xffff;
	_ =	sdelay $0x3  }
0x160: {  	v7 =	vor.u32 v1, v5;
	_ =	sdelay $0x1  }
0x161: {  	v6 =	vmul.f32 $8.000000000e+00, v6;
	_ =	sdelay $0x1  }
0x162: {  	[tilespmem:s28+$0xFFFFFFE0] =	vst v6  }
0x163: {  	v6 =	vld.idx.msk [tilespmem:v7+s11+$0x0], $0xffff;
	_ =	sdelay $0x3  }
0x164: {  	v7 =	vor.u32 v2, v5;
	_ =	sdelay $0x1  }
0x165: {  	v6 =	vmul.f32 $8.000000000e+00, v6;
	_ =	sdelay $0x1  }
0x166: {  	[tilespmem:s28+$0xFFFFFFF0] =	vst v6  }
0x167: {  	v6 =	vld.idx.msk [tilespmem:v7+s11+$0x0], $0xffff;
	_ =	sdelay $0x3  }
0x168: {  	v5 =	vor.u32 v3, v5;
	_ =	sdelay $0x1  }
0x169: {  	v6 =	vmul.f32 $8.000000000e+00, v6;
	_ =	sdelay $0x1  }
0x16a: {  	[tilespmem:s28+$0x0] =	vst v6  }
0x16b: {  	v7 =	vld.idx.msk [tilespmem:v5+s11+$0x0], $0xffff  }
0x16c: {  	v5 =	vmov s30  }
.Ltmp3:
0x16d: {  	v6 =	vand.u32 $0xF8, v5;
	(pc) =	sbr.rel @p0 .LBB2_5-.Ltmp3, $3  }
0x16e: {  	v8 =	vand.u32 $0x7, v5;
	v6 =	vadd.s32 v4, v6  }
0x16f: {  	v6 =	vor.u32 v8, v6;
	_ =	sdelay $0x1  }
0x170: {  	v7 =	vmul.f32 $8.000000000e+00, v7  }
0x171: {  	_ =	sdelay $0x2  }
0x172: {  	[tilespmem:s28+$0x10] =	vst v7  }
0x173: {  	v4 =	vld.idx.msk [tilespmem:v6+s4+$0x0], $0xffff;
	_ =	sdelay $0x4  }
0x174: {  	v6 =	vshrl.u32 v4, $0x1F  }
0x175: {  	v6 =	vadd.s32 v6, v4  }
0x176: {  	v6 =	vshrl.u32 v6, $0x1  }
0x177: {  	v6 =	vshll.u32 v6, $0x1  }
0x178: {  	v4 =	vsub.s32 v4, v6  }
0x179: {  	v5 =	vshll.u32 v5, $0x7;
	v4 =	vshll.u32 v4, $0x6  }
0x17a: {  	v4 =	vadd.s32 v5, v4  }
0x17b: {  	v5 =	vor.u32 v0, v4;
	_ =	sdelay $0x4  }
0x17c: {  	v5 =	vld.idx.msk [tilespmem:v5+s11+$0x0], $0xffff;
	_ =	sdelay $0x2  }
0x17d: {  	v6 =	vor.u32 v1, v4;
	_ =	sdelay $0x1  }
0x17e: {  	v5 =	vmul.f32 $8.000000000e+00, v5  }
0x17f: {  	s28 =	sadd.s32 $0x40, s28  }
0x180: {  	[tilespmem:s28+$0xFFFFFFE0] =	vst v5  }
0x181: {  	v5 =	vld.idx.msk [tilespmem:v6+s11+$0x0], $0xffff;
	_ =	sdelay $0x2  }
0x182: {  	v6 =	vor.u32 v2, v4;
	_ =	sdelay $0x1  }
0x183: {  	v5 =	vmul.f32 $8.000000000e+00, v5;
	_ =	sdelay $0x1  }
0x184: {  	[tilespmem:s28+$0xFFFFFFF0] =	vst v5  }
0x185: {  	v5 =	vld.idx.msk [tilespmem:v6+s11+$0x0], $0xffff;
	_ =	sdelay $0x2  }
0x186: {  	v4 =	vor.u32 v3, v4;
	_ =	sdelay $0x1  }
0x187: {  	v5 =	vmul.f32 $8.000000000e+00, v5;
	_ =	sdelay $0x1  }
0x188: {  	[tilespmem:s28+$0x0] =	vst v5  }
0x189: {  	v4 =	vld.idx.msk [tilespmem:v4+s11+$0x0], $0xffff;
	_ =	sdelay $0x3  }
0x18a: {  	s29 =	sadd.s32 s3, s0  }
0x18b: {  	s29 =	smul.u32 $0x640, s29;
	v4 =	vmul.f32 $8.000000000e+00, v4;
	_ =	sdelay $0x1  }
0x18c: {  	p0 =	seq.s32 s26, $0x3F;
	[tilespmem:s28+$0x10] =	vst v4;
	s28 =	sadd.s32 s2, s29  }
0x18d: {  	[hbm4b:s28+s4] =	stream.linear.scatter [tilespmem:s20], [sflag:$0x3], $0x3200, $0x38;
	[tilespmem:$0x1F400] =	vst v63  }
0x18e: {  	s28 =	simm.s32 @!p0 $0x3  }
0x18f: {  	s29 =	smul.u32 @!p0 $0x640, s26;
	_ =	swait.ge @!p0 [sflag:s28], $0x3200  }
0x190: {  	[sflag:s28] =	ssyncset.done @!p0 $0x0  }
0x191: {  	s0 =	sor.u32 $0x1, s0;
	[sflag:s28] =	ssyncadd.s32 @!p0 $0xFFFFCE00;
	s28 =	sshra.s32 @!p0 s29, $0x2  }
0x192: {  	s30 =	simm.s32 @!p0 $0x80;
	s31 =	simm.s32 @!p0 $0xC800;
	v4 =	vmov s0;
	s29 =	sadd.s32 @!p0 $0x6590, s28  }
0x193: {  	v4 =	vmul.u32 $0xC8, v4;
	[tilespmem:s31], [sflag:$0x1] =	stream.indirect.gather @!p0 [hbm4b:s5+s30], $0x80, s29, s30, $0xb8;
	[tilespmem:$0x1F400] =	vst v63  }
0x194: {  	s29 =	simm.s32 $0x0  }
0x195: {  	v4 =	vbroadcast v4, $0x0;
	s28 =	sadd.s32 @!p0 $0x6610, s28;
	s30 =	simm.s32 @!p0 $0x48;
	s31 =	simm.s32 @!p0 $0x10800;
	v5 =	vmov s29  }
0x196: {  	[tilespmem:s31], [sflag:$0x1] =	stream.indirect.gather @!p0 [hbm4b:s5+s30], $0x80, s28, s30, $0xb8;
	v6 =	vand.u32 $0xF8, v5;
	[tilespmem:$0x1F400] =	vst v63  }
0x197: {  	v7 =	vand.u32 $0x7, v5;
	_ =	swait.ge [sflag:s21], $0x4000;
	v6 =	vadd.s32 v4, v6  }
0x198: {  	[sflag:s21] =	ssyncset.done $0x0;
	v6 =	vor.u32 v7, v6  }
0x199: {  	[sflag:s21] =	ssyncadd.s32 $0xFFFFC000  }
0x19a: {  	_ =	swait.ge [sflag:s21], $0x2400  }
0x19b: {  	[sflag:s21] =	ssyncset.done $0x0  }
0x19c: {  	[sflag:s21] =	ssyncadd.s32 $0xFFFFDC00  }
0x19d: {  	v6 =	vld.idx.msk [tilespmem:v6+s4+$0x0], $0xffff;
	_ =	sdelay $0x4  }
0x19e: {  	v7 =	vshrl.u32 v6, $0x1F  }
0x19f: {  	v7 =	vadd.s32 v7, v6  }
0x1a0: {  	v7 =	vshrl.u32 v7, $0x1  }
0x1a1: {  	v7 =	vshll.u32 v7, $0x1  }
0x1a2: {  	v6 =	vsub.s32 v6, v7  }
0x1a3: {  	v5 =	vshll.u32 v5, $0x7;
	v6 =	vshll.u32 v6, $0x6  }
0x1a4: {  	v5 =	vadd.s32 v5, v6  }
0x1a5: {  	v6 =	vor.u32 v0, v5;
	_ =	sdelay $0x4  }
0x1a6: {  	v6 =	vld.idx.msk [tilespmem:v6+s16+$0x0], $0xffff;
	_ =	sdelay $0x2  }
0x1a7: {  	v7 =	vor.u32 v1, v5;
	_ =	sdelay $0x1  }
0x1a8: {  	v6 =	vmul.f32 $8.000000000e+00, v6  }
0x1a9: {  	s28 =	simm.s32 $0x1C220  }
0x1aa: {  	[tilespmem:s28+$0xFFFFFFE0] =	vst v6  }
0x1ab: {  	v6 =	vld.idx.msk [tilespmem:v7+s16+$0x0], $0xffff;
	_ =	sdelay $0x2  }
0x1ac: {  	v7 =	vor.u32 v2, v5;
	_ =	sdelay $0x1  }
0x1ad: {  	v6 =	vmul.f32 $8.000000000e+00, v6;
	_ =	sdelay $0x1  }
0x1ae: {  	[tilespmem:s28+$0xFFFFFFF0] =	vst v6  }
0x1af: {  	v6 =	vld.idx.msk [tilespmem:v7+s16+$0x0], $0xffff;
	_ =	sdelay $0x2  }
0x1b0: {  	v5 =	vor.u32 v3, v5;
	_ =	sdelay $0x1  }
0x1b1: {  	v6 =	vmul.f32 $8.000000000e+00, v6;
	_ =	sdelay $0x1  }
0x1b2: {  	s29 =	simm.s32 $0x1;
	[tilespmem:s28+$0x0] =	vst v6  }
0x1b3: {  	v7 =	vld.idx.msk [tilespmem:v5+s16+$0x0], $0xffff;
	v5 =	vmov s29  }
0x1b4: {  	v6 =	vand.u32 $0xF8, v5  }
0x1b5: {  	v8 =	vand.u32 $0x7, v5;
	v6 =	vadd.s32 v4, v6  }
0x1b6: {  	v6 =	vor.u32 v8, v6;
	_ =	sdelay $0x1  }
0x1b7: {  	s29 =	simm.s32 $0x2;
	v7 =	vmul.f32 $8.000000000e+00, v7  }
.LBB2_7:
0x1b8: {  	p1 =	sne.s32 s29, $0xC7  }
0x1b9: {  	s30 =	smov.u32 s29;
	s29 =	sadd.s32 $0x1, s29;
	[tilespmem:s28+$0x10] =	vst v7;
	s28 =	sadd.s32 $0x40, s28  }
0x1ba: {  	v6 =	vld.idx.msk [tilespmem:v6+s4+$0x0], $0xffff;
	_ =	sdelay $0x5  }
0x1bb: {  	v7 =	vshrl.u32 v6, $0x1F  }
0x1bc: {  	v7 =	vadd.s32 v7, v6  }
0x1bd: {  	v7 =	vshrl.u32 v7, $0x1  }
0x1be: {  	v7 =	vshll.u32 v7, $0x1  }
0x1bf: {  	v6 =	vsub.s32 v6, v7  }
0x1c0: {  	v5 =	vshll.u32 v5, $0x7;
	v6 =	vshll.u32 v6, $0x6  }
0x1c1: {  	v5 =	vadd.s32 v5, v6  }
0x1c2: {  	v6 =	vor.u32 v0, v5;
	_ =	sdelay $0x4  }
0x1c3: {  	v6 =	vld.idx.msk [tilespmem:v6+s16+$0x0], $0xffff;
	_ =	sdelay $0x3  }
0x1c4: {  	v7 =	vor.u32 v1, v5;
	_ =	sdelay $0x1  }
0x1c5: {  	v6 =	vmul.f32 $8.000000000e+00, v6;
	_ =	sdelay $0x1  }
0x1c6: {  	[tilespmem:s28+$0xFFFFFFE0] =	vst v6  }
0x1c7: {  	v6 =	vld.idx.msk [tilespmem:v7+s16+$0x0], $0xffff;
	_ =	sdelay $0x3  }
0x1c8: {  	v7 =	vor.u32 v2, v5;
	_ =	sdelay $0x1  }
0x1c9: {  	v6 =	vmul.f32 $8.000000000e+00, v6;
	_ =	sdelay $0x1  }
0x1ca: {  	[tilespmem:s28+$0xFFFFFFF0] =	vst v6  }
0x1cb: {  	v6 =	vld.idx.msk [tilespmem:v7+s16+$0x0], $0xffff;
	_ =	sdelay $0x3  }
0x1cc: {  	v5 =	vor.u32 v3, v5;
	_ =	sdelay $0x1  }
0x1cd: {  	v6 =	vmul.f32 $8.000000000e+00, v6;
	_ =	sdelay $0x1  }
0x1ce: {  	[tilespmem:s28+$0x0] =	vst v6  }
0x1cf: {  	v7 =	vld.idx.msk [tilespmem:v5+s16+$0x0], $0xffff  }
0x1d0: {  	v5 =	vmov s30  }
.Ltmp4:
0x1d1: {  	v6 =	vand.u32 $0xF8, v5;
	(pc) =	sbr.rel @p1 .LBB2_7-.Ltmp4, $3  }
0x1d2: {  	v8 =	vand.u32 $0x7, v5;
	v6 =	vadd.s32 v4, v6  }
0x1d3: {  	v6 =	vor.u32 v8, v6;
	_ =	sdelay $0x1  }
0x1d4: {  	v7 =	vmul.f32 $8.000000000e+00, v7  }
0x1d5: {  	_ =	sdelay $0x2  }
0x1d6: {  	[tilespmem:s28+$0x10] =	vst v7  }
0x1d7: {  	v4 =	vld.idx.msk [tilespmem:v6+s4+$0x0], $0xffff;
	_ =	sdelay $0x4  }
0x1d8: {  	v6 =	vshrl.u32 v4, $0x1F  }
0x1d9: {  	v6 =	vadd.s32 v6, v4  }
0x1da: {  	v6 =	vshrl.u32 v6, $0x1  }
0x1db: {  	v6 =	vshll.u32 v6, $0x1  }
0x1dc: {  	v4 =	vsub.s32 v4, v6  }
0x1dd: {  	v5 =	vshll.u32 v5, $0x7;
	v4 =	vshll.u32 v4, $0x6  }
0x1de: {  	v4 =	vadd.s32 v5, v4  }
0x1df: {  	v5 =	vor.u32 v0, v4;
	_ =	sdelay $0x4  }
0x1e0: {  	v5 =	vld.idx.msk [tilespmem:v5+s16+$0x0], $0xffff;
	_ =	sdelay $0x2  }
0x1e1: {  	v62 =	vor.u32 v1, v4;
	_ =	sdelay $0x1  }
0x1e2: {  	v5 =	vmul.f32 $8.000000000e+00, v5  }
0x1e3: {  	s31 =	sadd.s32 $0x40, s28  }
0x1e4: {  	[tilespmem:s31+$0xFFFFFFE0] =	vst v5  }
0x1e5: {  	v5 =	vld.idx.msk [tilespmem:v62+s16+$0x0], $0xffff;
	_ =	sdelay $0x2  }
0x1e6: {  	v63 =	vor.u32 v2, v4;
	_ =	sdelay $0x1  }
0x1e7: {  	v5 =	vmul.f32 $8.000000000e+00, v5;
	_ =	sdelay $0x1  }
0x1e8: {  	[tilespmem:s31+$0xFFFFFFF0] =	vst v5  }
0x1e9: {  	v5 =	vld.idx.msk [tilespmem:v63+s16+$0x0], $0xffff;
	_ =	sdelay $0x2  }
0x1ea: {  	v4 =	vor.u32 v3, v4;
	_ =	sdelay $0x1  }
0x1eb: {  	v5 =	vmul.f32 $8.000000000e+00, v5;
	_ =	sdelay $0x1  }
0x1ec: {  	[tilespmem:s31+$0x0] =	vst v5  }
0x1ed: {  	v4 =	vld.idx.msk [tilespmem:v4+s16+$0x0], $0xffff;
	_ =	sdelay $0x3  }
.Ltmp5:
0x1ee: {  	s0 =	sadd.s32 s3, s0;
	(pc) =	sbr.rel @p0 .LBB2_10-.Ltmp5, $3  }
0x1ef: {  	s0 =	smul.u32 $0x640, s0;
	v4 =	vmul.f32 $8.000000000e+00, v4;
	_ =	sdelay $0x1  }
0x1f0: {  	s0 =	sadd.s32 s2, s0;
	[tilespmem:s31+$0x10] =	vst v4  }
0x1f1: {  	[hbm4b:s0+s4] =	stream.linear.scatter [tilespmem:s22], [sflag:$0x4], $0x3200, $0x38;
	[tilespmem:$0x1F400] =	vst v63  }
0x1f2: {  	s0 =	smul.u32 $0x640, s26  }
0x1f3: {  	_ =	swait.ge [sflag:s24], $0x3200  }
.Ltmp6:
0x1f4: {  	[sflag:s24] =	ssyncset.done $0x0;
	s0 =	sshra.s32 s0, $0x2;
	(pc) =	sbr.rel .LBB2_4-.Ltmp6, $4  }
0x1f5: {  	[sflag:s24] =	ssyncadd.s32 $0xFFFFCE00;
	s28 =	sadd.s32 $0x6658, s0  }
0x1f6: {  	[tilespmem:s16], [sflag:$0x2] =	stream.indirect.gather [hbm4b:s5+s9], $0x80, s28, s9, $0xb8;
	[tilespmem:$0x1F400] =	vst v63  }
0x1f7: {  	s26 =	sadd.s32 $0x1, s26;
	s0 =	sadd.s32 $0x66D8, s0  }
0x1f8: {  	[tilespmem:s18], [sflag:$0x2] =	stream.indirect.gather [hbm4b:s5+s12], $0x80, s0, s12, $0xb8;
	[tilespmem:$0x1F400] =	vst v63  }
.LBB2_11:
0x1f9: {  	_ =	sfence.sel $0x180000  }
0x1fa: {  	[bflag:$0x0] =	sbarrier.arrive $0xFFFF  }
0x1fb: {  	_ =	strace $0x90000047  }
0x1fc: {  	s0 =	stileid.u32;
	[bflag:$0x2] =	sbarrier.arrive $0xFFFF  }
0x1fd: {  	p0 =	sne.s32 s0, $0x0;
	s0 =	rddreg [dreg:$0x2]  }
0x1fe: {  	s0 =	sadd.s32 @!p0 $0x100000, s0  }
0x1ff: {  	[sflag:s0] =	ssyncadd.tile.s32 @!p0 $0x1;
	_ =	shalt  }
.Lfunc_end2:
_tile_overlayer_lowered:
.L_overlay_start_2:
0x200: {  	(tag) =	ssettag $0x2  }
0x201: {  	s0 =	rddreg [dreg:$0x0];
	s2 =	stileid.u32  }
0x202: {  	s1 =	rddreg [dreg:$0x1];
	p0 =	sne.s32 s2, $0x0  }
0x203: {  	s3 =	rddreg [dreg:$0x2];
	[bflag:$0x3] =	sbarrier.arrive $0xFFFF;
	s2 =	simm.s32 @!p0 $0x1C05  }
0x204: {  	[timem:s3], [sflag:s2] =	dma.local @!p0 [hbm:s0], s1  }
0x205: {  	s0 =	simm.s32 @!p0 $0x5  }
0x206: {  	_ =	swait.ge @!p0 [sflag:s0], s1  }
0x207: {  	s1 =	ssub.s32 @!p0 $0x0, s1;
	[sflag:s0] =	ssyncset.done @!p0 $0x0  }
0x208: {  	[sflag:s0] =	ssyncadd.s32 @!p0 s1  }
0x209: {  	[bflag:$0x3] =	sbarrier.arrive $0xFFFF  }
0x20a: {  	_ =	shalt  }

// kernel: sparse-core-data-format-call.cloned.1.call-start
scs
called_computation_lowered:
.L_overlay_start_0:
0x0: {  	s2 =	sld [smem:$0x3FD9]  }
0x1: {  	s3 =	sld [smem:$0x3FFE];
	_ =	sdelay $0x1  }
0x2: {  	s1 =	srdreg.scid  }
0x3: {  	s0 =	sand.u32 $0x1, s1  }
0x4: {  	s18 =	sshll.u32 s0, $0xA;
	s2 =	sadd.s32 s3, s2  }
0x5: {  	s2 =	sadd.s32 s2, s18  }
0x6: {  	[smem:$0x3FC6] =	sst s2  }
0x7: {  	_ = 	snop  }
0x8: {  	s2 =	sld [smem:$0x3FD0];
	(tm) =	ssettm $0x1  }
0x9: {  	s19 =	sld [smem:$0x3FFB];
	_ =	sdelay $0x3  }
0xa: {  	_ =	strace s19  }
0xb: {  	s3 =	sld [smem:$0x3FFC];
	_ =	sdelay $0x3  }
0xc: {  	_ =	strace s3  }
0xd: {  	s3 =	sld [smem:$0x3FFD];
	_ =	sdelay $0x3  }
0xe: {  	_ =	strace s3  }
0xf: {  	_ =	strace $0x8FFFFFFF  }
0x10: {  	s20 =	sld [smem:$0x3FDB];
	_ =	sdelay $0x1  }
0x11: {  	s4 =	simm.s32 $_scs_section_size  }
0x12: {  	s5 =	simm.s32 $_size__tile_overlayer_lowered;
	s6 =	simm.s32 $_tile_overlayer_lowered  }
0x13: {  	s23 =	simm.s32 $0x1BFF;
	s22 =	sshll.u32 s6, $0x1;
	s3 =	sadd.s32 s4, s20  }
0x14: {  	s7 =	simm.s32 $0x0;
	s21 =	sshll.u32 s5, $0x1;
	s5 =	sadd.s32 s22, s3  }
0x15: {  	[timem:s7], [sflag:s23] =	dma.local [hbm:s5], s21  }
0x16: {  	_ =	swait.ge [sflag:s23], s21  }
0x17: {  	s4 =	ssub.s32 $0x0, s21;
	[sflag:s23] =	ssyncset.done $0x0  }
0x18: {  	[sflag:s23] =	ssyncadd.s32 s4;
	_ =	sdelay $0x1  }
0x19: {  	s24 =	simm.s32 $0x1B8B  }
0x1a: {  	_ =	swait.ge [sflag:s24], $0x1  }
0x1b: {  	[sflag:s24] =	ssyncset.done $0x0  }
0x1c: {  	s26 =	simm.s32 $0x1B8E;
	s25 =	sld [smem:$0x3FFE];
	[sflag:s24] =	ssyncadd.s32 $0xFFFFFFFF  }
0x1d: {  	s27 =	simm.s32 $execute0_lowered;
	[smem:$0x3FD2] =	sst s26  }
0x1e: {  	s5 =	sshll.u32 s27, $0x1;
	_ =	strace $0x80000049;
	[dreg:$0x1] =	wrdreg $0xFFFFFFFF  }
0x1f: {  	s28 =	simm.s32 $_size_execute0_lowered;
	s3 =	sadd.s32 s3, s5;
	[dreg:$0x0] =	wrdreg $0x0  }
0x20: {  	s5 =	sshll.u32 s28, $0x1;
	[dreg:$0x2] =	wrdreg s3  }
0x21: {  	[dreg:$0x3] =	wrdreg s5  }
0x22: {  	[dreg:$0x4] =	wrdreg $0xC0  }
0x23: {  	_ =	task [dreg:s7], $0x5FFFF  }
0x24: {  	[dreg:$0x1] =	wrdreg $0xFFFFFFFF  }
0x25: {  	[dreg:$0x0] =	wrdreg $0x60  }
0x26: {  	[dreg:$0x2] =	wrdreg s25  }
0x27: {  	[dreg:$0x3] =	wrdreg s2  }
0x28: {  	[dreg:$0x4] =	wrdreg $0x9  }
0x29: {  	_ =	task.clear_ibuf [dreg:s7], $0x5FFFF;
	_ =	strace $0x90000049  }
0x2a: {  	s29 =	simm.s32 $0x9;
	_ =	strace $0x8000004B  }
0x2b: {  	_ =	swait.ge [sflag:s29], $0x1  }
0x2c: {  	[sflag:s29] =	ssyncadd.s32 $0xFFFFFFFF  }
0x2d: {  	_ =	strace $0x9000004B  }
0x2e: {  	_ =	sfence  }
0x2f: {  	s30 =	sld [smem:$0x0];
	_ =	sdelay $0x2  }
0x30: {  	s31 =	sshll.u32 s1, $0xD;
	s1 =	sshrl.u32 s1, $0x2  }
0x31: {  	s3 =	sand.u32 $0x4000, s31;
	s1 =	sadd.s32 s1, s30  }
0x32: {  	s0 =	sor.u32 s3, s0;
	s1 =	sshll.u32 s1, $0x11  }
0x33: {  	s0 =	sor.u32 s1, s0  }
0x34: {  	s0 =	sadd.s32 $0x8F2B, s0  }
0x35: {  	[sflag:s0] =	ssyncadd.remote.s32 $0x1  }
0x36: {  	_ =	sfence.sel $0xFFFF  }
0x37: {  	[dreg:$0x0] =	wrdreg $0xFFFFFFFF;
	(pc) =	sbr.abs _section_cstart, $3  }
0x38: {  	[dreg:$0x1] =	wrdreg $0xFFFFFFFF  }
0x39: {  	_ =	task.clear_ibuf [dreg:s7], $0x2FFFF;
	_ =	strace $0x9FFFFFFF  }
0x3a: {  	(tm) =	ssettm $0x7FFFFFFF  }
0x3b: {  	_ =	shalt  }
tec
execute0_lowered:
.L_overlay_start_1:
0x0: {  	(tag) =	ssettag $0x1  }
0x1: {  	s0 =	srdreg.scid  }
0x2: {  	s1 =	sshll.u32 s0, $0x4  }
0x3: {  	s0 =	stileid.u32;
	s1 =	sand.u32 $0x10, s1  }
0x4: {  	s1 =	sor.u32 s0, s1  }
0x5: {  	s6 =	rddreg [dreg:$0x0];
	s4 =	simm.s32 $0x1;
	s2 =	sshll.u32 s1, $0x7  }
0x6: {  	s7 =	simm.s32 $0x2;
	s12 =	simm.s32 $0x0;
	s1 =	ssub.s32 $0x1000, s2  }
0x7: {  	s8 =	simm.s32 $0x8000;
	s13 =	simm.s32 $0x0;
	s3 =	sand.u32 $0xF80, s1  }
0x8: {  	s9 =	simm.s32 $0x0;
	s5 =	sshrl.u32 s1, $0xC;
	p0 =	sne.s32 s3, $0x0  }
.Ltmp0:
0x9: {  	s1 =	rddreg [dreg:$0x2];
	s4 =	simm.s32 @!p0 $0x0;
	(pc) =	sbr.rel .LBB1_1-.Ltmp0, $4  }
0xa: {  	s11 =	simm.s32 $0x0;
	s3 =	rddreg [dreg:$0x1];
	s5 =	sadd.s32 s4, s5  }
0xb: {  	_ =	strace $0x8000004A;
	s4 =	simm.s32 $0x1;
	s5 =	smul.u32 $0xC8, s5  }
0xc: {  	s6 =	sadd.s32 $0xA00, s6;
	s10 =	smov.u32 s2;
	[sflag:s4] =	ssyncpa.u1 $0x0  }
0xd: {  	p0 =	por $0x0, $0x0;
	[sflag:s7] =	ssyncpa.u1 $0x0;
	s7 =	sor.u32 $0x1, s5  }
.LBB1_4:
0xe: {  	s16 =	sshll.u32 s13, $0x3;
	s17 =	sand.u32 $0x78, s13  }
0xf: {  	s30 =	sand.u32 $0x7E00, s13;
	s12 =	sshll.u32 s12, $0xF;
	s16 =	sand.u32 $0xC00, s16  }
0x10: {  	[tilespmem:s15+$0x810 ss:$0x81] =	vst.msk $0xffff, v2;
	s31 =	sand.u32 $0x7, s13;
	s16 =	sor.u32 s17, s16;
	s17 =	sadd.s32 s3, s30  }
0x11: {  	[tilespmem:s15+$0x1020 ss:$0x81] =	vst.msk $0xffff, v0;
	s13 =	sshll.u32 s31, $0x12;
	s12 =	sadd.s32 s12, s17;
	s16 =	sshrl.u32 s16, $0x3  }
0x12: {  	[tilespmem:s15+$0x0 ss:$0x81] =	vst.msk $0xffff, v1;
	s13 =	sor.u32 $0x400, s13;
	s12 =	sadd.s32 s16, s12  }
0x13: {  	[hbm4b:s12+s13] =	stream.strided.scatter [tilespmem:s14], [sflag:$0x2], $0x2000, s8, s13, $0x20;
	[tilespmem:$0x8080] =	vst v63  }
.LBB1_5:
0x14: {  	s14 =	sadd.s32 $0x1, s9  }
0x15: {  	s12 =	sadd.s32 $0x1000, s10;
	s16 =	smov.u32 s10;
	p2 =	sgt.s32 s14, $0xC7  }
0x16: {  	s16 =	smov.u32 @p2 s12  }
0x17: {  	s14 =	simm.s32 @p2 $0x0;
	p2 =	sgt.s32 s16, $0xFFF  }
0x18: {  	s16 =	smov.u32 @p2 s2;
	p2 =	sne.s32 s11, s7  }
.Ltmp1:
0x19: {  	p1 =	slt.u32 s11, $0x2;
	(pc) =	sbr.rel @!p2 .LBB1_6-.Ltmp1, $4  }
0x1a: {  	s15 =	simm.s32 @!p1 $0x2  }
0x1b: {  	s13 =	smov.u32 s10;
	p0 =	por !p0, !p0;
	_ =	swait.ge @!p1 [sflag:s15], $0x2000  }
0x1c: {  	s12 =	smov.u32 s9;
	[sflag:s15] =	ssyncset.done @!p1 $0x0;
	s9 =	smov.u32 s14  }
0x1d: {  	s11 =	sadd.s32 $0x1, s11;
	[sflag:s15] =	ssyncadd.s32 @!p1 $0xFFFFE000;
	s10 =	smov.u32 s16  }
.LBB1_1:
0x1e: {  	p1 =	sge.u32 s11, s5  }
0x1f: {  	s14 =	sand.u32 @!p1 $0x1FFFFFF, s9  }
0x20: {  	s15 =	smulhi.u32 @!p1 $0x147AE15, s14;
	_ =	sdelay $0x1  }
0x21: {  	s15 =	smul.u32 @!p1 $0xC8, s15  }
0x22: {  	s16 =	sxor.u32 @!p1 $0xFFFFFFFF, s11;
	s17 =	smul.u32 @!p1 $0xC80, s10  }
0x23: {  	s31 =	sadd.s32 $0xFFFFFFFF, s11;
	s16 =	sshll.u32 @!p1 s16, $0xD;
	s14 =	ssub.s32 @!p1 s14, s15  }
0x24: {  	s15 =	sand.u32 @!p1 $0x2000, s16;
	s16 =	sadd.s32 @!p1 s6, s17;
	s14 =	sshll.u32 @!p1 s14, $0x4  }
0x25: {  	s17 =	simm.s32 @!p1 $0x6400;
	s14 =	sadd.s32 @!p1 s14, s16;
	s16 =	simm.s32 @!p1 $0x40  }
0x26: {  	[tilespmem:s15], [sflag:$0x1] =	stream.strided.gather @!p1 [hbm4b:s14+s16], $0x2000, s17, s16, $0x38;
	[tilespmem:$0x8080] =	vst v63  }
0x27: {  	p1 =	sge.u32 s31, s5  }
.Ltmp2:
0x28: {  	_ = 	snop;
	(pc) =	sbr.rel @p1 .LBB1_5-.Ltmp2, $1  }
0x29: {  	_ =	sdelay $0x3  }
0x2a: {  	s14 =	simm.s32 $0x1  }
0x2b: {  	_ =	swait.ge [sflag:s4], $0x2000;
	s14 =	simm.s32 @!p0 $0x0  }
0x2c: {  	[sflag:s4] =	ssyncset.done $0x0;
	s15 =	sshll.u32 s14, $0xD  }
0x2d: {  	[sflag:s4] =	ssyncadd.s32 $0xFFFFE000;
	s18 =	sor.u32 $0x20, s15  }
0x2e: {  	s14 =	smul.u32 $0x8100, s14;
	v3 =	vld [tilespmem:s18+$0x10]  }
0x2f: {  	s30 =	sand.u32 $0x1, s11;
	v2 =	vld [tilespmem:s18+$0xFFFFFFF0]  }
0x30: {  	s15 =	smul.u32 $0x8100, s30;
	s14 =	sshrl.u32 s14, $0x2;
	v0 =	vld [tilespmem:s18+$0x0]  }
0x31: {  	v1 =	vld [tilespmem:s18+$0xFFFFFFE0];
	s16 =	sor.u32 $0x4000, s14  }
0x32: {  	s31 =	sshrl.u32 s15, $0x2;
	s15 =	sadd.s32 $0x0, s16  }
0x33: {  	s17 =	simm.s32 $0x4;
	s18 =	sadd.s32 $0x40, s18;
	s14 =	sor.u32 $0x4000, s31;
	[tilespmem:s15+$0x1830 ss:$0x81] =	vst.msk $0xffff, v3  }
.LBB1_3:
0x34: {  	v3 =	vld [tilespmem:s18+$0x10];
	p1 =	sne.s32 s17, $0x1FC;
	[tilespmem:s15+$0x810 ss:$0x81] =	vst.msk $0xffff, v2;
	s19 =	smov.u32 s17;
	s17 =	sadd.s32 $0x4, s17  }
.Ltmp3:
0x35: {  	v2 =	vld [tilespmem:s18+$0xFFFFFFF0];
	[tilespmem:s15+$0x1020 ss:$0x81] =	vst.msk $0xffff, v0;
	(pc) =	sbr.rel @p1 .LBB1_3-.Ltmp3, $4  }
0x36: {  	v0 =	vld [tilespmem:s18+$0x0];
	[tilespmem:s15+$0x0 ss:$0x81] =	vst.msk $0xffff, v1  }
0x37: {  	s15 =	sshra.s32 s19, $0x2;
	v1 =	vld [tilespmem:s18+$0xFFFFFFE0]  }
0x38: {  	s15 =	sadd.s32 s15, s16  }
0x39: {  	s18 =	sadd.s32 $0x40, s18;
	[tilespmem:s15+$0x1830 ss:$0x81] =	vst.msk $0xffff, v3  }
.Ltmp4:
0x3a: {  	_ = 	snop;
	(pc) =	sbr.rel .LBB1_4-.Ltmp4, $1  }
0x3b: {  	_ =	sdelay $0x3  }
.LBB1_6:
0x3c: {  	_ =	sfence.sel $0x180000  }
0x3d: {  	s2 =	simm.s32 $0x1;
	[bflag:$0x0] =	sbarrier.arrive $0xFFFF  }
0x3e: {  	s31 =	simm.s32 $0x2;
	[sflag:s2] =	ssyncpa.u1 $0x1  }
0x3f: {  	[sflag:s31] =	ssyncpa.u1 $0x1  }
0x40: {  	p0 =	sne.s32 s0, $0x0;
	_ =	strace $0x9000004A  }
0x41: {  	s0 =	sadd.s32 @!p0 $0x100000, s1;
	[bflag:$0x2] =	sbarrier.arrive $0xFFFF  }
0x42: {  	[sflag:s0] =	ssyncadd.tile.s32 @!p0 $0x1;
	_ =	shalt  }
.Lfunc_end1:
_tile_overlayer_lowered:
.L_overlay_start_2:
0x43: {  	(tag) =	ssettag $0x2  }
0x44: {  	s0 =	rddreg [dreg:$0x0];
	s2 =	stileid.u32  }
0x45: {  	s1 =	rddreg [dreg:$0x1];
	p0 =	sne.s32 s2, $0x0  }
0x46: {  	s3 =	rddreg [dreg:$0x2];
	[bflag:$0x3] =	sbarrier.arrive $0xFFFF;
	s2 =	simm.s32 @!p0 $0x1C01  }
0x47: {  	[timem:s3], [sflag:s2] =	dma.local @!p0 [hbm:s0], s1  }
0x48: {  	s0 =	simm.s32 @!p0 $0x1  }
0x49: {  	_ =	swait.ge @!p0 [sflag:s0], s1  }
0x4a: {  	s1 =	ssub.s32 @!p0 $0x0, s1;
	[sflag:s0] =	ssyncset.done @!p0 $0x0  }
0x4b: {  	[sflag:s0] =	ssyncadd.s32 @!p0 s1  }
0x4c: {  	[bflag:$0x3] =	sbarrier.arrive $0xFFFF  }
0x4d: {  	_ =	shalt  }

</sc_bundles>
